<compile_context>
chip_gen: v7x
topology: tpu7x:2x2x1
jax: 0.10.2.dev20260603
libtpu: 0.0.44.dev20260713+nightly
codegen_flags: <defaults>
</compile_context>

<pallas_src>
import functools

import jax
import jax.numpy as jnp
from jax import lax
from jax.experimental import pallas as pl
from jax.experimental.pallas import tpu as pltpu
from jax.experimental.pallas import tpu_sc as plsc

NC = 2
NS = 16
CHUNK = 128


@functools.lru_cache(maxsize=None)
def _make_agg(n_nodes: int, dh: int, cpw: int, rpt: int):
    np_rows = NS * rpt
    mesh = plsc.VectorSubcoreMesh(core_axis_name="c", subcore_axis_name="s")

    @functools.partial(
        pl.kernel,
        out_type=jax.ShapeDtypeStruct((np_rows, NC * dh), jnp.float32),
        mesh=mesh,
        scratch_types=[
            pltpu.VMEM((cpw, CHUNK), jnp.int32),
            pltpu.VMEM((cpw, CHUNK), jnp.int32),
            pltpu.VMEM((2, CHUNK, dh), jnp.float32),
            pltpu.VMEM_SHARED((np_rows, dh), jnp.float32),
            pltpu.SemaphoreType.DMA,
            pltpu.SemaphoreType.DMA,
        ],
        compiler_params=pltpu.CompilerParams(use_tc_tiling_on_sc=False),
    )
    def agg(hs_hbm, srcw_hbm, dstw_hbm, zeros_hbm, out_hbm,
            src_v, dst_v, rows_v, acc_sh, sem0, sem1):
        c = lax.axis_index("c")
        s = lax.axis_index("s")
        col = pl.ds(c * dh, dh)
        h_my = hs_hbm.at[c]
        pltpu.sync_copy(zeros_hbm, acc_sh.at[pl.ds(s * rpt, rpt)])
        pltpu.sync_copy(srcw_hbm.at[s], src_v)
        pltpu.sync_copy(dstw_hbm.at[s], dst_v)
        plsc.subcore_barrier()

        sems = (sem0, sem1)
        for b in range(2):
            pltpu.async_copy(h_my.at[src_v.at[b]], rows_v.at[b], sems[b])

        def body(i, carry):
            j2 = i * 2
            for b in range(2):
                j = j2 + b
                pltpu.make_async_copy(
                    h_my.at[src_v.at[j]], rows_v.at[b], sems[b]).wait()
                pltpu.sync_copy(rows_v.at[b], acc_sh.at[dst_v.at[j]], add=True)

                @pl.when(j + 2 < cpw)
                def _():
                    pltpu.async_copy(
                        h_my.at[src_v.at[j + 2]], rows_v.at[b], sems[b])
            return carry

        lax.fori_loop(0, cpw // 2, body, 0)
        plsc.subcore_barrier()
        pltpu.sync_copy(acc_sh.at[pl.ds(s * rpt, rpt)],
                        out_hbm.at[pl.ds(s * rpt, rpt), col])

    return agg


def _stage1_body(a_ref, h_ref, w1_ref, b1_ref, sc_ref, z_ref, sums_ref):
    k = pl.program_id(0)
    a = a_ref[...]
    an = a / jnp.maximum(
        jnp.sqrt(jnp.sum(a * a, axis=1, keepdims=True)), 1e-12)
    h = h_ref[...]
    hn = h / jnp.maximum(
        jnp.sqrt(jnp.sum(h * h, axis=1, keepdims=True)), 1e-12)
    out = an + sc_ref[...] * hn
    z = jnp.dot(out, w1_ref[...], preferred_element_type=jnp.float32)
    z = z + b1_ref[...]
    z_ref[...] = z

    @pl.when(k == 0)
    def _():
        sums_ref[...] = jnp.zeros_like(sums_ref)

    sums_ref[0:1, :] += jnp.sum(z, axis=0, keepdims=True)
    sums_ref[1:2, :] += jnp.sum(z * z, axis=0, keepdims=True)


def _stage2_body(z_ref, sums_ref, g_ref, be_ref, w2_ref, b2_ref, out_ref,
                 *, n_rows, relu_out):
    mu = sums_ref[0:1, :] / n_rows
    var = sums_ref[1:2, :] / n_rows - mu * mu
    inv = g_ref[...] / jnp.sqrt(var + 1e-5)
    z = (z_ref[...] - mu) * inv + be_ref[...]
    z = jnp.maximum(z, 0.0)
    hnew = jnp.dot(z, w2_ref[...], preferred_element_type=jnp.float32)
    hnew = hnew + b2_ref[...]
    if relu_out:
        hnew = jnp.maximum(hnew, 0.0)
    out_ref[...] = hnew


def _row_block(n):
    for b in (5000, 2000, 1000, 500, 250, 200, 100, 40, 8):
        if n % b == 0 and b % 8 == 0:
            return b
    return 8


def kernel(x, edge_index, W1, b1, gamma, beta, W2, b2, eps):
    n, d = x.shape
    dh = d // 2
    n_layers = W1.shape[0]
    e = edge_index.shape[1]

    cpw = -(-e // (NS * CHUNK))
    cpw += cpw % 2
    ep = cpw * NS * CHUNK
    pad = ep - e
    rpt = -(-(n + 1) // NS)
    rpt = -(-rpt // 8) * 8

    src = jnp.concatenate([edge_index[0], jnp.zeros((pad,), jnp.int32)])
    dst = jnp.concatenate([edge_index[1], jnp.full((pad,), n, jnp.int32)])
    srcw = src.reshape(NS, cpw, CHUNK)
    dstw = dst.reshape(NS, cpw, CHUNK)
    zeros = jnp.zeros((rpt, dh), jnp.float32)

    agg_fn = _make_agg(n, dh, cpw, rpt)

    b_rows = _row_block(n)
    grid = n // b_rows
    row_spec = pl.BlockSpec((b_rows, d), lambda k: (k, 0))
    mat_spec = pl.BlockSpec((d, d), lambda k: (0, 0))
    vec_spec = pl.BlockSpec((1, d), lambda k: (0, 0))
    sums_spec = pl.BlockSpec((8, d), lambda k: (0, 0))

    stage1 = pl.pallas_call(
        _stage1_body,
        grid=(grid,),
        in_specs=[row_spec, row_spec, mat_spec, vec_spec, vec_spec],
        out_specs=[row_spec, sums_spec],
        out_shape=[jax.ShapeDtypeStruct((n, d), jnp.float32),
                   jax.ShapeDtypeStruct((8, d), jnp.float32)],
    )

    h = x
    for i in range(n_layers):
        hs = jnp.stack([h[:, :dh], h[:, dh:]])
        agg = agg_fn(hs, srcw, dstw, zeros)
        scale_row = jnp.full((1, d), 1.0 + eps[i], jnp.float32)
        z, sums = stage1(agg, h, W1[i], b1[i].reshape(1, d), scale_row)
        stage2 = pl.pallas_call(
            functools.partial(_stage2_body, n_rows=float(n),
                              relu_out=(i != n_layers - 1)),
            grid=(grid,),
            in_specs=[row_spec, sums_spec, vec_spec, vec_spec, mat_spec,
                      vec_spec],
            out_specs=row_spec,
            out_shape=jax.ShapeDtypeStruct((n, d), jnp.float32),
        )
        h = stage2(z, sums, gamma[i].reshape(1, d), beta[i].reshape(1, d),
                   W2[i], b2[i].reshape(1, d))
    return h

# --- scband reference (transcript-rebuilt; emitter-appended) ---
"""Pipeline reference for scband-net-5239860101629 (READ-ONLY COPY).

The authoritative reference and input builder live on the scoring server;
editing this copy changes nothing except your own understanding.
"""

import jax, jax.numpy as jnp
import numpy as np

N = 10000
E = 320000
D = 128
L = 3


def _l2(v):
    n = jnp.linalg.norm(v, axis=-1, keepdims=True)
    return v / jnp.maximum(n, 1e-12)


def setup_inputs(seed: int = 0) -> dict:
    key = jax.random.key(seed)
    ks = jax.random.split(key, 6)
    x = jax.random.normal(ks[0], (N, D), dtype=jnp.float32)
    edge_index = jax.random.randint(ks[1], (2, E), 0, N, dtype=jnp.int32)
    W1 = jax.random.normal(ks[2], (L, D, D), dtype=jnp.float32) * (1.0 / np.sqrt(D))
    b1 = jnp.zeros((L, D), dtype=jnp.float32)
    gamma = jnp.ones((L, D), dtype=jnp.float32)
    beta = jnp.zeros((L, D), dtype=jnp.float32)
    W2 = jax.random.normal(ks[3], (L, D, D), dtype=jnp.float32) * (1.0 / np.sqrt(D))
    b2 = jnp.zeros((L, D), dtype=jnp.float32)
    eps = jnp.zeros((L,), dtype=jnp.float32)
    return {"x": x, "edge_index": edge_index, "W1": W1, "b1": b1,
            "gamma": gamma, "beta": beta, "W2": W2, "b2": b2, "eps": eps}


def reference(x, edge_index, W1, b1, gamma, beta, W2, b2, eps):
    src = edge_index[0]
    dst = edge_index[1]
    h = x
    for i in range(L):
        # message: x_j gathered from source nodes; aggr='add' at dst
        msg = jnp.take(h, src, axis=0)
        agg = jax.ops.segment_sum(msg, dst, num_segments=N)
        # update(): F.normalize(inputs, p=2, dim=-1)
        agg = _l2(agg)
        # out += (1 + eps) * F.normalize(x_r)
        out = agg + (1.0 + eps[i]) * _l2(h)
        # nn: Linear -> BatchNorm1d (train-mode batch stats) -> ReLU -> Linear
        z = out @ W1[i] + b1[i]
        mu = jnp.mean(z, axis=0)
        var = jnp.var(z, axis=0)
        z = (z - mu) / jnp.sqrt(var + 1e-5) * gamma[i] + beta[i]
        z = jax.nn.relu(z)
        h = z @ W2[i] + b2[i]
        if i != L - 1:
            h = jax.nn.relu(h)
    return h

if __name__ == "__main__":
    import jax
    _d = setup_inputs()
    print(jax.jit(kernel)(*tuple(_d.values())))

</pallas_src>

<mosaic_0001>
#map = affine_map<(d0, d1) -> (0, 0, 0)>
#map1 = affine_map<(d0, d1) -> (0, 0)>
module attributes {stable_mosaic.version = 14 : i64} {
  func.func @agg(%arg0: i32, %arg1: i32, %arg2: memref<2x10000x64xf32, #tpu.memory_space<hbm>>, %arg3: memref<16x158x128xi32, #tpu.memory_space<hbm>>, %arg4: memref<16x158x128xi32, #tpu.memory_space<hbm>>, %arg5: memref<632x64xf32, #tpu.memory_space<hbm>>, %arg6: memref<10112x128xf32, #tpu.memory_space<hbm>>, %arg7: memref<158x128xi32, #tpu.memory_space<vmem>>, %arg8: memref<158x128xi32, #tpu.memory_space<vmem>>, %arg9: memref<2x128x64xf32, #tpu.memory_space<vmem>>, %arg10: memref<10112x64xf32, #tpu.memory_space<vmem_shared>>, %arg11: memref<!tpu.dma_semaphore, #tpu.memory_space<semaphore_mem>>, %arg12: memref<!tpu.dma_semaphore, #tpu.memory_space<semaphore_mem>>) attributes {dimension_semantics = [#tpu.dimension_semantics<core_parallel>, #tpu.dimension_semantics<subcore_parallel>], iteration_bounds = array<i64: 2, 16>, scalar_prefetch = 0 : i64, scratch_operands = 6 : i64, tpu.core_type = #tpu.core_type<sc_vector_subcore>, window_params = [{transform_indices = #map}, {transform_indices = #map}, {transform_indices = #map}, {transform_indices = #map1}, {transform_indices = #map1}]} {
    %mul3A = arith.constant 64 : i32
    %mul3A_0 = arith.muli %arg0, %mul3A : i32
    %mul3A_1 = arith.constant 632 : i32
    %mul3A_2 = arith.muli %arg1, %mul3A_1 : i32
    "tpu.region"() ({
      %run_scoped3A = tpu.sem_alloc : memref<!tpu.dma_semaphore, #tpu.memory_space<semaphore_mem>>
      %dma_start3A_44 = arith.constant 0 : i32
      %dma_start3A_45 = tpu.memref_slice %arg10[%mul3A_2, %dma_start3A_44] : memref<10112x64xf32, #tpu.memory_space<vmem_shared>> -> memref<632x64xf32, #tpu.memory_space<vmem_shared>>
      tpu.enqueue_dma source(%arg5 : memref<632x64xf32, #tpu.memory_space<hbm>>) target(%dma_start3A_45 : memref<632x64xf32, #tpu.memory_space<vmem_shared>>) target_semaphore(%run_scoped3A : memref<!tpu.dma_semaphore, #tpu.memory_space<semaphore_mem>>)
      %dma_wait3A = arith.constant 0 : i32
      %dma_wait3A_46 = tpu.memref_slice %arg10[%mul3A_2, %dma_wait3A] : memref<10112x64xf32, #tpu.memory_space<vmem_shared>> -> memref<632x64xf32, #tpu.memory_space<vmem_shared>>
      tpu.wait_dma2 semaphore(%run_scoped3A : memref<!tpu.dma_semaphore, #tpu.memory_space<semaphore_mem>>) src(%arg5 : memref<632x64xf32, #tpu.memory_space<hbm>>) dst(%dma_wait3A_46 : memref<632x64xf32, #tpu.memory_space<vmem_shared>>)
      tpu.yield
    }) : () -> ()
    "tpu.region"() ({
      %run_scoped3A = tpu.sem_alloc : memref<!tpu.dma_semaphore, #tpu.memory_space<semaphore_mem>>
      %dma_start3A_44 = arith.constant 0 : i32
      %dma_start3A_45 = arith.constant 0 : i32
      %dma_start3A_46 = tpu.memref_slice %arg3[%arg1, %dma_start3A_44, %dma_start3A_45] : memref<16x158x128xi32, #tpu.memory_space<hbm>> -> memref<1x158x128xi32, #tpu.memory_space<hbm>>
      %dma_start3A_47 = tpu.memref_squeeze %dma_start3A_46 : memref<1x158x128xi32, #tpu.memory_space<hbm>> -> memref<158x128xi32, #tpu.memory_space<hbm>>
      %dma_start3A_48 = arith.constant 0 : i32
      %dma_start3A_49 = arith.constant 0 : i32
      %dma_start3A_50 = tpu.memref_slice %arg3[%arg1, %dma_start3A_48, %dma_start3A_49] : memref<16x158x128xi32, #tpu.memory_space<hbm>> -> memref<1x158x128xi32, #tpu.memory_space<hbm>>
      %dma_start3A_51 = tpu.memref_squeeze %dma_start3A_50 : memref<1x158x128xi32, #tpu.memory_space<hbm>> -> memref<158x128xi32, #tpu.memory_space<hbm>>
      tpu.enqueue_dma source(%dma_start3A_51 : memref<158x128xi32, #tpu.memory_space<hbm>>) target(%arg7 : memref<158x128xi32, #tpu.memory_space<vmem>>) target_semaphore(%run_scoped3A : memref<!tpu.dma_semaphore, #tpu.memory_space<semaphore_mem>>)
      %dma_wait3A = arith.constant 0 : i32
      %dma_wait3A_52 = arith.constant 0 : i32
      %dma_wait3A_53 = tpu.memref_slice %arg3[%arg1, %dma_wait3A, %dma_wait3A_52] : memref<16x158x128xi32, #tpu.memory_space<hbm>> -> memref<1x158x128xi32, #tpu.memory_space<hbm>>
      %dma_wait3A_54 = tpu.memref_squeeze %dma_wait3A_53 : memref<1x158x128xi32, #tpu.memory_space<hbm>> -> memref<158x128xi32, #tpu.memory_space<hbm>>
      %dma_wait3A_55 = arith.constant 0 : i32
      %dma_wait3A_56 = arith.constant 0 : i32
      %dma_wait3A_57 = tpu.memref_slice %arg3[%arg1, %dma_wait3A_55, %dma_wait3A_56] : memref<16x158x128xi32, #tpu.memory_space<hbm>> -> memref<1x158x128xi32, #tpu.memory_space<hbm>>
      %dma_wait3A_58 = tpu.memref_squeeze %dma_wait3A_57 : memref<1x158x128xi32, #tpu.memory_space<hbm>> -> memref<158x128xi32, #tpu.memory_space<hbm>>
      tpu.wait_dma2 semaphore(%run_scoped3A : memref<!tpu.dma_semaphore, #tpu.memory_space<semaphore_mem>>) src(%dma_wait3A_58 : memref<158x128xi32, #tpu.memory_space<hbm>>) dst(%arg7 : memref<158x128xi32, #tpu.memory_space<vmem>>)
      tpu.yield
    }) : () -> ()
    "tpu.region"() ({
      %run_scoped3A = tpu.sem_alloc : memref<!tpu.dma_semaphore, #tpu.memory_space<semaphore_mem>>
      %dma_start3A_44 = arith.constant 0 : i32
      %dma_start3A_45 = arith.constant 0 : i32
      %dma_start3A_46 = tpu.memref_slice %arg4[%arg1, %dma_start3A_44, %dma_start3A_45] : memref<16x158x128xi32, #tpu.memory_space<hbm>> -> memref<1x158x128xi32, #tpu.memory_space<hbm>>
      %dma_start3A_47 = tpu.memref_squeeze %dma_start3A_46 : memref<1x158x128xi32, #tpu.memory_space<hbm>> -> memref<158x128xi32, #tpu.memory_space<hbm>>
      %dma_start3A_48 = arith.constant 0 : i32
      %dma_start3A_49 = arith.constant 0 : i32
      %dma_start3A_50 = tpu.memref_slice %arg4[%arg1, %dma_start3A_48, %dma_start3A_49] : memref<16x158x128xi32, #tpu.memory_space<hbm>> -> memref<1x158x128xi32, #tpu.memory_space<hbm>>
      %dma_start3A_51 = tpu.memref_squeeze %dma_start3A_50 : memref<1x158x128xi32, #tpu.memory_space<hbm>> -> memref<158x128xi32, #tpu.memory_space<hbm>>
      tpu.enqueue_dma source(%dma_start3A_51 : memref<158x128xi32, #tpu.memory_space<hbm>>) target(%arg8 : memref<158x128xi32, #tpu.memory_space<vmem>>) target_semaphore(%run_scoped3A : memref<!tpu.dma_semaphore, #tpu.memory_space<semaphore_mem>>)
      %dma_wait3A = arith.constant 0 : i32
      %dma_wait3A_52 = arith.constant 0 : i32
      %dma_wait3A_53 = tpu.memref_slice %arg4[%arg1, %dma_wait3A, %dma_wait3A_52] : memref<16x158x128xi32, #tpu.memory_space<hbm>> -> memref<1x158x128xi32, #tpu.memory_space<hbm>>
      %dma_wait3A_54 = tpu.memref_squeeze %dma_wait3A_53 : memref<1x158x128xi32, #tpu.memory_space<hbm>> -> memref<158x128xi32, #tpu.memory_space<hbm>>
      %dma_wait3A_55 = arith.constant 0 : i32
      %dma_wait3A_56 = arith.constant 0 : i32
      %dma_wait3A_57 = tpu.memref_slice %arg4[%arg1, %dma_wait3A_55, %dma_wait3A_56] : memref<16x158x128xi32, #tpu.memory_space<hbm>> -> memref<1x158x128xi32, #tpu.memory_space<hbm>>
      %dma_wait3A_58 = tpu.memref_squeeze %dma_wait3A_57 : memref<1x158x128xi32, #tpu.memory_space<hbm>> -> memref<158x128xi32, #tpu.memory_space<hbm>>
      tpu.wait_dma2 semaphore(%run_scoped3A : memref<!tpu.dma_semaphore, #tpu.memory_space<semaphore_mem>>) src(%dma_wait3A_58 : memref<158x128xi32, #tpu.memory_space<hbm>>) dst(%arg8 : memref<158x128xi32, #tpu.memory_space<vmem>>)
      tpu.yield
    }) : () -> ()
    %barrier3A = arith.constant 0 : index
    tpu.barrier barrier_id(%barrier3A)
    %dma_start3A = arith.constant 0 : i32
    %dma_start3A_3 = arith.constant 0 : i32
    %dma_start3A_4 = arith.constant 0 : i32
    %dma_start3A_5 = arith.constant 0 : i32
    %dma_start3A_6 = tpu.memref_slice %arg9[%dma_start3A_3, %dma_start3A_4, %dma_start3A_5] : memref<2x128x64xf32, #tpu.memory_space<vmem>> -> memref<1x128x64xf32, #tpu.memory_space<vmem>>
    %dma_start3A_7 = tpu.memref_squeeze %dma_start3A_6 : memref<1x128x64xf32, #tpu.memory_space<vmem>> -> memref<128x64xf32, #tpu.memory_space<vmem>>
    %dma_start3A_8 = arith.constant 0 : i32
    %dma_start3A_9 = tpu.memref_slice %arg7[%dma_start3A, %dma_start3A_8] : memref<158x128xi32, #tpu.memory_space<vmem>> -> memref<1x128xi32, #tpu.memory_space<vmem>>
    %dma_start3A_10 = tpu.memref_squeeze %dma_start3A_9 : memref<1x128xi32, #tpu.memory_space<vmem>> -> memref<128xi32, #tpu.memory_space<vmem>>
    %dma_start3A_11 = arith.constant 0 : i32
    %dma_start3A_12 = arith.constant 0 : i32
    %dma_start3A_13 = tpu.memref_slice %arg2[%arg0, %dma_start3A_11, %dma_start3A_12] : memref<2x10000x64xf32, #tpu.memory_space<hbm>> -> memref<1x10000x64xf32, #tpu.memory_space<hbm>>
    %dma_start3A_14 = tpu.memref_squeeze %dma_start3A_13 : memref<1x10000x64xf32, #tpu.memory_space<hbm>> -> memref<10000x64xf32, #tpu.memory_space<hbm>>
    %dma_start3A_15 = arith.constant 0 : i32
    %dma_start3A_16 = arith.constant 0 : i32
    %dma_start3A_17 = tpu.memref_slice %dma_start3A_14[%dma_start3A_15, %dma_start3A_16] : memref<10000x64xf32, #tpu.memory_space<hbm>> -> memref<10000x64xf32, #tpu.memory_space<hbm>>
    tpu.enqueue_indirect_dma source(%dma_start3A_17 : memref<10000x64xf32, #tpu.memory_space<hbm>>) target(%dma_start3A_7 : memref<128x64xf32, #tpu.memory_space<vmem>>) offsets(%dma_start3A_10 : memref<128xi32, #tpu.memory_space<vmem>>) semaphore(%arg11 : memref<!tpu.dma_semaphore, #tpu.memory_space<semaphore_mem>>)
    %dma_start3A_18 = arith.constant 1 : i32
    %dma_start3A_19 = arith.constant 1 : i32
    %dma_start3A_20 = arith.constant 0 : i32
    %dma_start3A_21 = arith.constant 0 : i32
    %dma_start3A_22 = tpu.memref_slice %arg9[%dma_start3A_19, %dma_start3A_20, %dma_start3A_21] : memref<2x128x64xf32, #tpu.memory_space<vmem>> -> memref<1x128x64xf32, #tpu.memory_space<vmem>>
    %dma_start3A_23 = tpu.memref_squeeze %dma_start3A_22 : memref<1x128x64xf32, #tpu.memory_space<vmem>> -> memref<128x64xf32, #tpu.memory_space<vmem>>
    %dma_start3A_24 = arith.constant 0 : i32
    %dma_start3A_25 = tpu.memref_slice %arg7[%dma_start3A_18, %dma_start3A_24] : memref<158x128xi32, #tpu.memory_space<vmem>> -> memref<1x128xi32, #tpu.memory_space<vmem>>
    %dma_start3A_26 = tpu.memref_squeeze %dma_start3A_25 : memref<1x128xi32, #tpu.memory_space<vmem>> -> memref<128xi32, #tpu.memory_space<vmem>>
    %dma_start3A_27 = arith.constant 0 : i32
    %dma_start3A_28 = arith.constant 0 : i32
    %dma_start3A_29 = tpu.memref_slice %arg2[%arg0, %dma_start3A_27, %dma_start3A_28] : memref<2x10000x64xf32, #tpu.memory_space<hbm>> -> memref<1x10000x64xf32, #tpu.memory_space<hbm>>
    %dma_start3A_30 = tpu.memref_squeeze %dma_start3A_29 : memref<1x10000x64xf32, #tpu.memory_space<hbm>> -> memref<10000x64xf32, #tpu.memory_space<hbm>>
    %dma_start3A_31 = arith.constant 0 : i32
    %dma_start3A_32 = arith.constant 0 : i32
    %dma_start3A_33 = tpu.memref_slice %dma_start3A_30[%dma_start3A_31, %dma_start3A_32] : memref<10000x64xf32, #tpu.memory_space<hbm>> -> memref<10000x64xf32, #tpu.memory_space<hbm>>
    tpu.enqueue_indirect_dma source(%dma_start3A_33 : memref<10000x64xf32, #tpu.memory_space<hbm>>) target(%dma_start3A_23 : memref<128x64xf32, #tpu.memory_space<vmem>>) offsets(%dma_start3A_26 : memref<128xi32, #tpu.memory_space<vmem>>) semaphore(%arg12 : memref<!tpu.dma_semaphore, #tpu.memory_space<semaphore_mem>>)
    %scan3A = arith.constant 0 : i32
    %scan3A_34 = arith.constant 0 : i32
    %scan3A_35 = arith.constant 79 : i32
    %scan3A_36 = arith.addi %scan3A_34, %scan3A_35 : i32
    %scan3A_37 = arith.constant 1 : i32
    scf.for %scan3A_44 = %scan3A_34 to %scan3A_36 step %scan3A_37  : i32 {
      %mul3A_45 = arith.constant 2 : i32
      %mul3A_46 = arith.muli %scan3A_44, %mul3A_45 : i32
      %add3A = arith.constant 0 : i32
      %add3A_47 = arith.addi %mul3A_46, %add3A : i32
      %dma_wait3A = arith.constant 0 : i32
      %dma_wait3A_48 = arith.constant 0 : i32
      %dma_wait3A_49 = arith.constant 0 : i32
      %dma_wait3A_50 = tpu.memref_slice %arg9[%dma_wait3A, %dma_wait3A_48, %dma_wait3A_49] : memref<2x128x64xf32, #tpu.memory_space<vmem>> -> memref<1x128x64xf32, #tpu.memory_space<vmem>>
      %dma_wait3A_51 = tpu.memref_squeeze %dma_wait3A_50 : memref<1x128x64xf32, #tpu.memory_space<vmem>> -> memref<128x64xf32, #tpu.memory_space<vmem>>
      %dma_wait3A_52 = arith.constant 0 : i32
      %dma_wait3A_53 = tpu.memref_slice %arg7[%add3A_47, %dma_wait3A_52] : memref<158x128xi32, #tpu.memory_space<vmem>> -> memref<1x128xi32, #tpu.memory_space<vmem>>
      %dma_wait3A_54 = tpu.memref_squeeze %dma_wait3A_53 : memref<1x128xi32, #tpu.memory_space<vmem>> -> memref<128xi32, #tpu.memory_space<vmem>>
      %dma_wait3A_55 = arith.constant 0 : i32
      %dma_wait3A_56 = arith.constant 0 : i32
      %dma_wait3A_57 = tpu.memref_slice %arg2[%arg0, %dma_wait3A_55, %dma_wait3A_56] : memref<2x10000x64xf32, #tpu.memory_space<hbm>> -> memref<1x10000x64xf32, #tpu.memory_space<hbm>>
      %dma_wait3A_58 = tpu.memref_squeeze %dma_wait3A_57 : memref<1x10000x64xf32, #tpu.memory_space<hbm>> -> memref<10000x64xf32, #tpu.memory_space<hbm>>
      %dma_wait3A_59 = arith.constant 0 : i32
      %dma_wait3A_60 = arith.constant 0 : i32
      %dma_wait3A_61 = tpu.memref_slice %dma_wait3A_58[%dma_wait3A_59, %dma_wait3A_60] : memref<10000x64xf32, #tpu.memory_space<hbm>> -> memref<10000x64xf32, #tpu.memory_space<hbm>>
      tpu.wait_indirect_dma semaphore(%arg11 : memref<!tpu.dma_semaphore, #tpu.memory_space<semaphore_mem>>) src(%dma_wait3A_61 : memref<10000x64xf32, #tpu.memory_space<hbm>>) dst(%dma_wait3A_51 : memref<128x64xf32, #tpu.memory_space<vmem>>)
      %run_scoped3A = arith.constant 0 : i32
      "tpu.region"() ({
        %run_scoped3A_91 = tpu.sem_alloc : memref<!tpu.dma_semaphore, #tpu.memory_space<semaphore_mem>>
        %dma_start3A_92 = arith.constant 0 : i32
        %dma_start3A_93 = arith.constant 0 : i32
        %dma_start3A_94 = tpu.memref_slice %arg9[%run_scoped3A, %dma_start3A_92, %dma_start3A_93] : memref<2x128x64xf32, #tpu.memory_space<vmem>> -> memref<1x128x64xf32, #tpu.memory_space<vmem>>
        %dma_start3A_95 = tpu.memref_squeeze %dma_start3A_94 : memref<1x128x64xf32, #tpu.memory_space<vmem>> -> memref<128x64xf32, #tpu.memory_space<vmem>>
        %dma_start3A_96 = arith.constant 0 : i32
        %dma_start3A_97 = tpu.memref_slice %arg8[%add3A_47, %dma_start3A_96] : memref<158x128xi32, #tpu.memory_space<vmem>> -> memref<1x128xi32, #tpu.memory_space<vmem>>
        %dma_start3A_98 = tpu.memref_squeeze %dma_start3A_97 : memref<1x128xi32, #tpu.memory_space<vmem>> -> memref<128xi32, #tpu.memory_space<vmem>>
        %dma_start3A_99 = arith.constant 0 : i32
        %dma_start3A_100 = arith.constant 0 : i32
        %dma_start3A_101 = tpu.memref_slice %arg10[%dma_start3A_99, %dma_start3A_100] : memref<10112x64xf32, #tpu.memory_space<vmem_shared>> -> memref<10112x64xf32, #tpu.memory_space<vmem_shared>>
        tpu.enqueue_indirect_dma source(%dma_start3A_95 : memref<128x64xf32, #tpu.memory_space<vmem>>) target(%dma_start3A_101 : memref<10112x64xf32, #tpu.memory_space<vmem_shared>>) offsets(%dma_start3A_98 : memref<128xi32, #tpu.memory_space<vmem>>) semaphore(%run_scoped3A_91 : memref<!tpu.dma_semaphore, #tpu.memory_space<semaphore_mem>>) {add = true}
        %dma_wait3A_102 = arith.constant 0 : i32
        %dma_wait3A_103 = arith.constant 0 : i32
        %dma_wait3A_104 = tpu.memref_slice %arg9[%run_scoped3A, %dma_wait3A_102, %dma_wait3A_103] : memref<2x128x64xf32, #tpu.memory_space<vmem>> -> memref<1x128x64xf32, #tpu.memory_space<vmem>>
        %dma_wait3A_105 = tpu.memref_squeeze %dma_wait3A_104 : memref<1x128x64xf32, #tpu.memory_space<vmem>> -> memref<128x64xf32, #tpu.memory_space<vmem>>
        %dma_wait3A_106 = arith.constant 0 : i32
        %dma_wait3A_107 = tpu.memref_slice %arg8[%add3A_47, %dma_wait3A_106] : memref<158x128xi32, #tpu.memory_space<vmem>> -> memref<1x128xi32, #tpu.memory_space<vmem>>
        %dma_wait3A_108 = tpu.memref_squeeze %dma_wait3A_107 : memref<1x128xi32, #tpu.memory_space<vmem>> -> memref<128xi32, #tpu.memory_space<vmem>>
        %dma_wait3A_109 = arith.constant 0 : i32
        %dma_wait3A_110 = arith.constant 0 : i32
        %dma_wait3A_111 = tpu.memref_slice %arg10[%dma_wait3A_109, %dma_wait3A_110] : memref<10112x64xf32, #tpu.memory_space<vmem_shared>> -> memref<10112x64xf32, #tpu.memory_space<vmem_shared>>
        tpu.wait_indirect_dma semaphore(%run_scoped3A_91 : memref<!tpu.dma_semaphore, #tpu.memory_space<semaphore_mem>>) src(%dma_wait3A_105 : memref<128x64xf32, #tpu.memory_space<vmem>>) dst(%dma_wait3A_111 : memref<10112x64xf32, #tpu.memory_space<vmem_shared>>)
        tpu.yield
      }) : () -> ()
      %add3A_62 = arith.constant 2 : i32
      %add3A_63 = arith.addi %add3A_47, %add3A_62 : i32
      %lt3A = arith.constant 158 : i32
      %lt3A_64 = arith.cmpi slt, %add3A_63, %lt3A : i32
      %convert_element_type3A = arith.extui %lt3A_64 : i1 to i32
      %cond3A = arith.constant 0 : i32
      %cond3A_65 = arith.cmpi ne, %convert_element_type3A, %cond3A : i32
      scf.if %cond3A_65 {
        %add3A_91 = arith.constant 2 : i32
        %add3A_92 = arith.addi %add3A_47, %add3A_91 : i32
        %dma_start3A_93 = arith.constant 0 : i32
        %dma_start3A_94 = arith.constant 0 : i32
        %dma_start3A_95 = arith.constant 0 : i32
        %dma_start3A_96 = tpu.memref_slice %arg9[%dma_start3A_93, %dma_start3A_94, %dma_start3A_95] : memref<2x128x64xf32, #tpu.memory_space<vmem>> -> memref<1x128x64xf32, #tpu.memory_space<vmem>>
        %dma_start3A_97 = tpu.memref_squeeze %dma_start3A_96 : memref<1x128x64xf32, #tpu.memory_space<vmem>> -> memref<128x64xf32, #tpu.memory_space<vmem>>
        %dma_start3A_98 = arith.constant 0 : i32
        %dma_start3A_99 = tpu.memref_slice %arg7[%add3A_92, %dma_start3A_98] : memref<158x128xi32, #tpu.memory_space<vmem>> -> memref<1x128xi32, #tpu.memory_space<vmem>>
        %dma_start3A_100 = tpu.memref_squeeze %dma_start3A_99 : memref<1x128xi32, #tpu.memory_space<vmem>> -> memref<128xi32, #tpu.memory_space<vmem>>
        %dma_start3A_101 = arith.constant 0 : i32
        %dma_start3A_102 = arith.constant 0 : i32
        %dma_start3A_103 = tpu.memref_slice %arg2[%arg0, %dma_start3A_101, %dma_start3A_102] : memref<2x10000x64xf32, #tpu.memory_space<hbm>> -> memref<1x10000x64xf32, #tpu.memory_space<hbm>>
        %dma_start3A_104 = tpu.memref_squeeze %dma_start3A_103 : memref<1x10000x64xf32, #tpu.memory_space<hbm>> -> memref<10000x64xf32, #tpu.memory_space<hbm>>
        %dma_start3A_105 = arith.constant 0 : i32
        %dma_start3A_106 = arith.constant 0 : i32
        %dma_start3A_107 = tpu.memref_slice %dma_start3A_104[%dma_start3A_105, %dma_start3A_106] : memref<10000x64xf32, #tpu.memory_space<hbm>> -> memref<10000x64xf32, #tpu.memory_space<hbm>>
        tpu.enqueue_indirect_dma source(%dma_start3A_107 : memref<10000x64xf32, #tpu.memory_space<hbm>>) target(%dma_start3A_97 : memref<128x64xf32, #tpu.memory_space<vmem>>) offsets(%dma_start3A_100 : memref<128xi32, #tpu.memory_space<vmem>>) semaphore(%arg11 : memref<!tpu.dma_semaphore, #tpu.memory_space<semaphore_mem>>)
      } else {
      }
      %add3A_66 = arith.constant 1 : i32
      %add3A_67 = arith.addi %mul3A_46, %add3A_66 : i32
      %dma_wait3A_68 = arith.constant 1 : i32
      %dma_wait3A_69 = arith.constant 0 : i32
      %dma_wait3A_70 = arith.constant 0 : i32
      %dma_wait3A_71 = tpu.memref_slice %arg9[%dma_wait3A_68, %dma_wait3A_69, %dma_wait3A_70] : memref<2x128x64xf32, #tpu.memory_space<vmem>> -> memref<1x128x64xf32, #tpu.memory_space<vmem>>
      %dma_wait3A_72 = tpu.memref_squeeze %dma_wait3A_71 : memref<1x128x64xf32, #tpu.memory_space<vmem>> -> memref<128x64xf32, #tpu.memory_space<vmem>>
      %dma_wait3A_73 = arith.constant 0 : i32
      %dma_wait3A_74 = tpu.memref_slice %arg7[%add3A_67, %dma_wait3A_73] : memref<158x128xi32, #tpu.memory_space<vmem>> -> memref<1x128xi32, #tpu.memory_space<vmem>>
      %dma_wait3A_75 = tpu.memref_squeeze %dma_wait3A_74 : memref<1x128xi32, #tpu.memory_space<vmem>> -> memref<128xi32, #tpu.memory_space<vmem>>
      %dma_wait3A_76 = arith.constant 0 : i32
      %dma_wait3A_77 = arith.constant 0 : i32
      %dma_wait3A_78 = tpu.memref_slice %arg2[%arg0, %dma_wait3A_76, %dma_wait3A_77] : memref<2x10000x64xf32, #tpu.memory_space<hbm>> -> memref<1x10000x64xf32, #tpu.memory_space<hbm>>
      %dma_wait3A_79 = tpu.memref_squeeze %dma_wait3A_78 : memref<1x10000x64xf32, #tpu.memory_space<hbm>> -> memref<10000x64xf32, #tpu.memory_space<hbm>>
      %dma_wait3A_80 = arith.constant 0 : i32
      %dma_wait3A_81 = arith.constant 0 : i32
      %dma_wait3A_82 = tpu.memref_slice %dma_wait3A_79[%dma_wait3A_80, %dma_wait3A_81] : memref<10000x64xf32, #tpu.memory_space<hbm>> -> memref<10000x64xf32, #tpu.memory_space<hbm>>
      tpu.wait_indirect_dma semaphore(%arg12 : memref<!tpu.dma_semaphore, #tpu.memory_space<semaphore_mem>>) src(%dma_wait3A_82 : memref<10000x64xf32, #tpu.memory_space<hbm>>) dst(%dma_wait3A_72 : memref<128x64xf32, #tpu.memory_space<vmem>>)
      %run_scoped3A_83 = arith.constant 1 : i32
      "tpu.region"() ({
        %run_scoped3A_91 = tpu.sem_alloc : memref<!tpu.dma_semaphore, #tpu.memory_space<semaphore_mem>>
        %dma_start3A_92 = arith.constant 0 : i32
        %dma_start3A_93 = arith.constant 0 : i32
        %dma_start3A_94 = tpu.memref_slice %arg9[%run_scoped3A_83, %dma_start3A_92, %dma_start3A_93] : memref<2x128x64xf32, #tpu.memory_space<vmem>> -> memref<1x128x64xf32, #tpu.memory_space<vmem>>
        %dma_start3A_95 = tpu.memref_squeeze %dma_start3A_94 : memref<1x128x64xf32, #tpu.memory_space<vmem>> -> memref<128x64xf32, #tpu.memory_space<vmem>>
        %dma_start3A_96 = arith.constant 0 : i32
        %dma_start3A_97 = tpu.memref_slice %arg8[%add3A_67, %dma_start3A_96] : memref<158x128xi32, #tpu.memory_space<vmem>> -> memref<1x128xi32, #tpu.memory_space<vmem>>
        %dma_start3A_98 = tpu.memref_squeeze %dma_start3A_97 : memref<1x128xi32, #tpu.memory_space<vmem>> -> memref<128xi32, #tpu.memory_space<vmem>>
        %dma_start3A_99 = arith.constant 0 : i32
        %dma_start3A_100 = arith.constant 0 : i32
        %dma_start3A_101 = tpu.memref_slice %arg10[%dma_start3A_99, %dma_start3A_100] : memref<10112x64xf32, #tpu.memory_space<vmem_shared>> -> memref<10112x64xf32, #tpu.memory_space<vmem_shared>>
        tpu.enqueue_indirect_dma source(%dma_start3A_95 : memref<128x64xf32, #tpu.memory_space<vmem>>) target(%dma_start3A_101 : memref<10112x64xf32, #tpu.memory_space<vmem_shared>>) offsets(%dma_start3A_98 : memref<128xi32, #tpu.memory_space<vmem>>) semaphore(%run_scoped3A_91 : memref<!tpu.dma_semaphore, #tpu.memory_space<semaphore_mem>>) {add = true}
        %dma_wait3A_102 = arith.constant 0 : i32
        %dma_wait3A_103 = arith.constant 0 : i32
        %dma_wait3A_104 = tpu.memref_slice %arg9[%run_scoped3A_83, %dma_wait3A_102, %dma_wait3A_103] : memref<2x128x64xf32, #tpu.memory_space<vmem>> -> memref<1x128x64xf32, #tpu.memory_space<vmem>>
        %dma_wait3A_105 = tpu.memref_squeeze %dma_wait3A_104 : memref<1x128x64xf32, #tpu.memory_space<vmem>> -> memref<128x64xf32, #tpu.memory_space<vmem>>
        %dma_wait3A_106 = arith.constant 0 : i32
        %dma_wait3A_107 = tpu.memref_slice %arg8[%add3A_67, %dma_wait3A_106] : memref<158x128xi32, #tpu.memory_space<vmem>> -> memref<1x128xi32, #tpu.memory_space<vmem>>
        %dma_wait3A_108 = tpu.memref_squeeze %dma_wait3A_107 : memref<1x128xi32, #tpu.memory_space<vmem>> -> memref<128xi32, #tpu.memory_space<vmem>>
        %dma_wait3A_109 = arith.constant 0 : i32
        %dma_wait3A_110 = arith.constant 0 : i32
        %dma_wait3A_111 = tpu.memref_slice %arg10[%dma_wait3A_109, %dma_wait3A_110] : memref<10112x64xf32, #tpu.memory_space<vmem_shared>> -> memref<10112x64xf32, #tpu.memory_space<vmem_shared>>
        tpu.wait_indirect_dma semaphore(%run_scoped3A_91 : memref<!tpu.dma_semaphore, #tpu.memory_space<semaphore_mem>>) src(%dma_wait3A_105 : memref<128x64xf32, #tpu.memory_space<vmem>>) dst(%dma_wait3A_111 : memref<10112x64xf32, #tpu.memory_space<vmem_shared>>)
        tpu.yield
      }) : () -> ()
      %add3A_84 = arith.constant 2 : i32
      %add3A_85 = arith.addi %add3A_67, %add3A_84 : i32
      %lt3A_86 = arith.constant 158 : i32
      %lt3A_87 = arith.cmpi slt, %add3A_85, %lt3A_86 : i32
      %convert_element_type3A_88 = arith.extui %lt3A_87 : i1 to i32
      %cond3A_89 = arith.constant 0 : i32
      %cond3A_90 = arith.cmpi ne, %convert_element_type3A_88, %cond3A_89 : i32
      scf.if %cond3A_90 {
        %add3A_91 = arith.constant 2 : i32
        %add3A_92 = arith.addi %add3A_67, %add3A_91 : i32
        %dma_start3A_93 = arith.constant 1 : i32
        %dma_start3A_94 = arith.constant 0 : i32
        %dma_start3A_95 = arith.constant 0 : i32
        %dma_start3A_96 = tpu.memref_slice %arg9[%dma_start3A_93, %dma_start3A_94, %dma_start3A_95] : memref<2x128x64xf32, #tpu.memory_space<vmem>> -> memref<1x128x64xf32, #tpu.memory_space<vmem>>
        %dma_start3A_97 = tpu.memref_squeeze %dma_start3A_96 : memref<1x128x64xf32, #tpu.memory_space<vmem>> -> memref<128x64xf32, #tpu.memory_space<vmem>>
        %dma_start3A_98 = arith.constant 0 : i32
        %dma_start3A_99 = tpu.memref_slice %arg7[%add3A_92, %dma_start3A_98] : memref<158x128xi32, #tpu.memory_space<vmem>> -> memref<1x128xi32, #tpu.memory_space<vmem>>
        %dma_start3A_100 = tpu.memref_squeeze %dma_start3A_99 : memref<1x128xi32, #tpu.memory_space<vmem>> -> memref<128xi32, #tpu.memory_space<vmem>>
        %dma_start3A_101 = arith.constant 0 : i32
        %dma_start3A_102 = arith.constant 0 : i32
        %dma_start3A_103 = tpu.memref_slice %arg2[%arg0, %dma_start3A_101, %dma_start3A_102] : memref<2x10000x64xf32, #tpu.memory_space<hbm>> -> memref<1x10000x64xf32, #tpu.memory_space<hbm>>
        %dma_start3A_104 = tpu.memref_squeeze %dma_start3A_103 : memref<1x10000x64xf32, #tpu.memory_space<hbm>> -> memref<10000x64xf32, #tpu.memory_space<hbm>>
        %dma_start3A_105 = arith.constant 0 : i32
        %dma_start3A_106 = arith.constant 0 : i32
        %dma_start3A_107 = tpu.memref_slice %dma_start3A_104[%dma_start3A_105, %dma_start3A_106] : memref<10000x64xf32, #tpu.memory_space<hbm>> -> memref<10000x64xf32, #tpu.memory_space<hbm>>
        tpu.enqueue_indirect_dma source(%dma_start3A_107 : memref<10000x64xf32, #tpu.memory_space<hbm>>) target(%dma_start3A_97 : memref<128x64xf32, #tpu.memory_space<vmem>>) offsets(%dma_start3A_100 : memref<128xi32, #tpu.memory_space<vmem>>) semaphore(%arg12 : memref<!tpu.dma_semaphore, #tpu.memory_space<semaphore_mem>>)
      } else {
      }
    }
    %scan3A_38 = arith.constant 79 : i32
    %barrier3A_39 = arith.constant 0 : index
    tpu.barrier barrier_id(%barrier3A_39)
    %mul3A_40 = arith.constant 632 : i32
    %mul3A_41 = arith.muli %arg1, %mul3A_40 : i32
    %mul3A_42 = arith.constant 632 : i32
    %mul3A_43 = arith.muli %arg1, %mul3A_42 : i32
    "tpu.region"() ({
      %run_scoped3A = tpu.sem_alloc : memref<!tpu.dma_semaphore, #tpu.memory_space<semaphore_mem>>
      %dma_start3A_44 = tpu.memref_slice %arg6[%mul3A_43, %mul3A_0] : memref<10112x128xf32, #tpu.memory_space<hbm>> -> memref<632x64xf32, #tpu.memory_space<hbm>>
      %dma_start3A_45 = arith.constant 0 : i32
      %dma_start3A_46 = tpu.memref_slice %arg10[%mul3A_41, %dma_start3A_45] : memref<10112x64xf32, #tpu.memory_space<vmem_shared>> -> memref<632x64xf32, #tpu.memory_space<vmem_shared>>
      tpu.enqueue_dma source(%dma_start3A_46 : memref<632x64xf32, #tpu.memory_space<vmem_shared>>) target(%dma_start3A_44 : memref<632x64xf32, #tpu.memory_space<hbm>>) target_semaphore(%run_scoped3A : memref<!tpu.dma_semaphore, #tpu.memory_space<semaphore_mem>>)
      %dma_wait3A = tpu.memref_slice %arg6[%mul3A_43, %mul3A_0] : memref<10112x128xf32, #tpu.memory_space<hbm>> -> memref<632x64xf32, #tpu.memory_space<hbm>>
      %dma_wait3A_47 = arith.constant 0 : i32
      %dma_wait3A_48 = tpu.memref_slice %arg10[%mul3A_41, %dma_wait3A_47] : memref<10112x64xf32, #tpu.memory_space<vmem_shared>> -> memref<632x64xf32, #tpu.memory_space<vmem_shared>>
      tpu.wait_dma2 semaphore(%run_scoped3A : memref<!tpu.dma_semaphore, #tpu.memory_space<semaphore_mem>>) src(%dma_wait3A_48 : memref<632x64xf32, #tpu.memory_space<vmem_shared>>) dst(%dma_wait3A : memref<632x64xf32, #tpu.memory_space<hbm>>)
      tpu.yield
    }) : () -> ()
    return
  }
}

#map = affine_map<(d0, d1) -> (0, 0, 0)>
#map1 = affine_map<(d0, d1) -> (0, 0)>
module attributes {stable_mosaic.version = 14 : i64} {
  func.func @agg(%arg0: i32, %arg1: i32, %arg2: memref<2x10000x64xf32, #tpu.memory_space<hbm>>, %arg3: memref<16x158x128xi32, #tpu.memory_space<hbm>>, %arg4: memref<16x158x128xi32, #tpu.memory_space<hbm>>, %arg5: memref<632x64xf32, #tpu.memory_space<hbm>>, %arg6: memref<10112x128xf32, #tpu.memory_space<hbm>>, %arg7: memref<158x128xi32, #tpu.memory_space<vmem>>, %arg8: memref<158x128xi32, #tpu.memory_space<vmem>>, %arg9: memref<2x128x64xf32, #tpu.memory_space<vmem>>, %arg10: memref<10112x64xf32, #tpu.memory_space<vmem_shared>>, %arg11: memref<!tpu.dma_semaphore, #tpu.memory_space<semaphore_mem>>, %arg12: memref<!tpu.dma_semaphore, #tpu.memory_space<semaphore_mem>>) attributes {dimension_semantics = [#tpu.dimension_semantics<core_parallel>, #tpu.dimension_semantics<subcore_parallel>], iteration_bounds = array<i64: 2, 16>, scalar_prefetch = 0 : i64, scratch_operands = 6 : i64, tpu.core_type = #tpu.core_type<sc_vector_subcore>, window_params = [{transform_indices = #map}, {transform_indices = #map}, {transform_indices = #map}, {transform_indices = #map1}, {transform_indices = #map1}]} {
    %mul3A = arith.constant 64 : i32
    %mul3A_0 = arith.muli %arg0, %mul3A : i32
    %mul3A_1 = arith.constant 632 : i32
    %mul3A_2 = arith.muli %arg1, %mul3A_1 : i32
    "tpu.region"() ({
      %run_scoped3A = tpu.sem_alloc : memref<!tpu.dma_semaphore, #tpu.memory_space<semaphore_mem>>
      %dma_start3A_44 = arith.constant 0 : i32
      %dma_start3A_45 = tpu.memref_slice %arg10[%mul3A_2, %dma_start3A_44] : memref<10112x64xf32, #tpu.memory_space<vmem_shared>> -> memref<632x64xf32, #tpu.memory_space<vmem_shared>>
      tpu.enqueue_dma source(%arg5 : memref<632x64xf32, #tpu.memory_space<hbm>>) target(%dma_start3A_45 : memref<632x64xf32, #tpu.memory_space<vmem_shared>>) target_semaphore(%run_scoped3A : memref<!tpu.dma_semaphore, #tpu.memory_space<semaphore_mem>>)
      %dma_wait3A = arith.constant 0 : i32
      %dma_wait3A_46 = tpu.memref_slice %arg10[%mul3A_2, %dma_wait3A] : memref<10112x64xf32, #tpu.memory_space<vmem_shared>> -> memref<632x64xf32, #tpu.memory_space<vmem_shared>>
      tpu.wait_dma2 semaphore(%run_scoped3A : memref<!tpu.dma_semaphore, #tpu.memory_space<semaphore_mem>>) src(%arg5 : memref<632x64xf32, #tpu.memory_space<hbm>>) dst(%dma_wait3A_46 : memref<632x64xf32, #tpu.memory_space<vmem_shared>>)
      tpu.yield
    }) : () -> ()
    "tpu.region"() ({
      %run_scoped3A = tpu.sem_alloc : memref<!tpu.dma_semaphore, #tpu.memory_space<semaphore_mem>>
      %dma_start3A_44 = arith.constant 0 : i32
      %dma_start3A_45 = arith.constant 0 : i32
      %dma_start3A_46 = tpu.memref_slice %arg3[%arg1, %dma_start3A_44, %dma_start3A_45] : memref<16x158x128xi32, #tpu.memory_space<hbm>> -> memref<1x158x128xi32, #tpu.memory_space<hbm>>
      %dma_start3A_47 = tpu.memref_squeeze %dma_start3A_46 : memref<1x158x128xi32, #tpu.memory_space<hbm>> -> memref<158x128xi32, #tpu.memory_space<hbm>>
      %dma_start3A_48 = arith.constant 0 : i32
      %dma_start3A_49 = arith.constant 0 : i32
      %dma_start3A_50 = tpu.memref_slice %arg3[%arg1, %dma_start3A_48, %dma_start3A_49] : memref<16x158x128xi32, #tpu.memory_space<hbm>> -> memref<1x158x128xi32, #tpu.memory_space<hbm>>
      %dma_start3A_51 = tpu.memref_squeeze %dma_start3A_50 : memref<1x158x128xi32, #tpu.memory_space<hbm>> -> memref<158x128xi32, #tpu.memory_space<hbm>>
      tpu.enqueue_dma source(%dma_start3A_51 : memref<158x128xi32, #tpu.memory_space<hbm>>) target(%arg7 : memref<158x128xi32, #tpu.memory_space<vmem>>) target_semaphore(%run_scoped3A : memref<!tpu.dma_semaphore, #tpu.memory_space<semaphore_mem>>)
      %dma_wait3A = arith.constant 0 : i32
      %dma_wait3A_52 = arith.constant 0 : i32
      %dma_wait3A_53 = tpu.memref_slice %arg3[%arg1, %dma_wait3A, %dma_wait3A_52] : memref<16x158x128xi32, #tpu.memory_space<hbm>> -> memref<1x158x128xi32, #tpu.memory_space<hbm>>
      %dma_wait3A_54 = tpu.memref_squeeze %dma_wait3A_53 : memref<1x158x128xi32, #tpu.memory_space<hbm>> -> memref<158x128xi32, #tpu.memory_space<hbm>>
      %dma_wait3A_55 = arith.constant 0 : i32
      %dma_wait3A_56 = arith.constant 0 : i32
      %dma_wait3A_57 = tpu.memref_slice %arg3[%arg1, %dma_wait3A_55, %dma_wait3A_56] : memref<16x158x128xi32, #tpu.memory_space<hbm>> -> memref<1x158x128xi32, #tpu.memory_space<hbm>>
      %dma_wait3A_58 = tpu.memref_squeeze %dma_wait3A_57 : memref<1x158x128xi32, #tpu.memory_space<hbm>> -> memref<158x128xi32, #tpu.memory_space<hbm>>
      tpu.wait_dma2 semaphore(%run_scoped3A : memref<!tpu.dma_semaphore, #tpu.memory_space<semaphore_mem>>) src(%dma_wait3A_58 : memref<158x128xi32, #tpu.memory_space<hbm>>) dst(%arg7 : memref<158x128xi32, #tpu.memory_space<vmem>>)
      tpu.yield
    }) : () -> ()
    "tpu.region"() ({
      %run_scoped3A = tpu.sem_alloc : memref<!tpu.dma_semaphore, #tpu.memory_space<semaphore_mem>>
      %dma_start3A_44 = arith.constant 0 : i32
      %dma_start3A_45 = arith.constant 0 : i32
      %dma_start3A_46 = tpu.memref_slice %arg4[%arg1, %dma_start3A_44, %dma_start3A_45] : memref<16x158x128xi32, #tpu.memory_space<hbm>> -> memref<1x158x128xi32, #tpu.memory_space<hbm>>
      %dma_start3A_47 = tpu.memref_squeeze %dma_start3A_46 : memref<1x158x128xi32, #tpu.memory_space<hbm>> -> memref<158x128xi32, #tpu.memory_space<hbm>>
      %dma_start3A_48 = arith.constant 0 : i32
      %dma_start3A_49 = arith.constant 0 : i32
      %dma_start3A_50 = tpu.memref_slice %arg4[%arg1, %dma_start3A_48, %dma_start3A_49] : memref<16x158x128xi32, #tpu.memory_space<hbm>> -> memref<1x158x128xi32, #tpu.memory_space<hbm>>
      %dma_start3A_51 = tpu.memref_squeeze %dma_start3A_50 : memref<1x158x128xi32, #tpu.memory_space<hbm>> -> memref<158x128xi32, #tpu.memory_space<hbm>>
      tpu.enqueue_dma source(%dma_start3A_51 : memref<158x128xi32, #tpu.memory_space<hbm>>) target(%arg8 : memref<158x128xi32, #tpu.memory_space<vmem>>) target_semaphore(%run_scoped3A : memref<!tpu.dma_semaphore, #tpu.memory_space<semaphore_mem>>)
      %dma_wait3A = arith.constant 0 : i32
      %dma_wait3A_52 = arith.constant 0 : i32
      %dma_wait3A_53 = tpu.memref_slice %arg4[%arg1, %dma_wait3A, %dma_wait3A_52] : memref<16x158x128xi32, #tpu.memory_space<hbm>> -> memref<1x158x128xi32, #tpu.memory_space<hbm>>
      %dma_wait3A_54 = tpu.memref_squeeze %dma_wait3A_53 : memref<1x158x128xi32, #tpu.memory_space<hbm>> -> memref<158x128xi32, #tpu.memory_space<hbm>>
      %dma_wait3A_55 = arith.constant 0 : i32
      %dma_wait3A_56 = arith.constant 0 : i32
      %dma_wait3A_57 = tpu.memref_slice %arg4[%arg1, %dma_wait3A_55, %dma_wait3A_56] : memref<16x158x128xi32, #tpu.memory_space<hbm>> -> memref<1x158x128xi32, #tpu.memory_space<hbm>>
      %dma_wait3A_58 = tpu.memref_squeeze %dma_wait3A_57 : memref<1x158x128xi32, #tpu.memory_space<hbm>> -> memref<158x128xi32, #tpu.memory_space<hbm>>
      tpu.wait_dma2 semaphore(%run_scoped3A : memref<!tpu.dma_semaphore, #tpu.memory_space<semaphore_mem>>) src(%dma_wait3A_58 : memref<158x128xi32, #tpu.memory_space<hbm>>) dst(%arg8 : memref<158x128xi32, #tpu.memory_space<vmem>>)
      tpu.yield
    }) : () -> ()
    %barrier3A = arith.constant 0 : index
    tpu.barrier barrier_id(%barrier3A)
    %dma_start3A = arith.constant 0 : i32
    %dma_start3A_3 = arith.constant 0 : i32
    %dma_start3A_4 = arith.constant 0 : i32
    %dma_start3A_5 = arith.constant 0 : i32
    %dma_start3A_6 = tpu.memref_slice %arg9[%dma_start3A_3, %dma_start3A_4, %dma_start3A_5] : memref<2x128x64xf32, #tpu.memory_space<vmem>> -> memref<1x128x64xf32, #tpu.memory_space<vmem>>
    %dma_start3A_7 = tpu.memref_squeeze %dma_start3A_6 : memref<1x128x64xf32, #tpu.memory_space<vmem>> -> memref<128x64xf32, #tpu.memory_space<vmem>>
    %dma_start3A_8 = arith.constant 0 : i32
    %dma_start3A_9 = tpu.memref_slice %arg7[%dma_start3A, %dma_start3A_8] : memref<158x128xi32, #tpu.memory_space<vmem>> -> memref<1x128xi32, #tpu.memory_space<vmem>>
    %dma_start3A_10 = tpu.memref_squeeze %dma_start3A_9 : memref<1x128xi32, #tpu.memory_space<vmem>> -> memref<128xi32, #tpu.memory_space<vmem>>
    %dma_start3A_11 = arith.constant 0 : i32
    %dma_start3A_12 = arith.constant 0 : i32
    %dma_start3A_13 = tpu.memref_slice %arg2[%arg0, %dma_start3A_11, %dma_start3A_12] : memref<2x10000x64xf32, #tpu.memory_space<hbm>> -> memref<1x10000x64xf32, #tpu.memory_space<hbm>>
    %dma_start3A_14 = tpu.memref_squeeze %dma_start3A_13 : memref<1x10000x64xf32, #tpu.memory_space<hbm>> -> memref<10000x64xf32, #tpu.memory_space<hbm>>
    %dma_start3A_15 = arith.constant 0 : i32
    %dma_start3A_16 = arith.constant 0 : i32
    %dma_start3A_17 = tpu.memref_slice %dma_start3A_14[%dma_start3A_15, %dma_start3A_16] : memref<10000x64xf32, #tpu.memory_space<hbm>> -> memref<10000x64xf32, #tpu.memory_space<hbm>>
    tpu.enqueue_indirect_dma source(%dma_start3A_17 : memref<10000x64xf32, #tpu.memory_space<hbm>>) target(%dma_start3A_7 : memref<128x64xf32, #tpu.memory_space<vmem>>) offsets(%dma_start3A_10 : memref<128xi32, #tpu.memory_space<vmem>>) semaphore(%arg11 : memref<!tpu.dma_semaphore, #tpu.memory_space<semaphore_mem>>)
    %dma_start3A_18 = arith.constant 1 : i32
    %dma_start3A_19 = arith.constant 1 : i32
    %dma_start3A_20 = arith.constant 0 : i32
    %dma_start3A_21 = arith.constant 0 : i32
    %dma_start3A_22 = tpu.memref_slice %arg9[%dma_start3A_19, %dma_start3A_20, %dma_start3A_21] : memref<2x128x64xf32, #tpu.memory_space<vmem>> -> memref<1x128x64xf32, #tpu.memory_space<vmem>>
    %dma_start3A_23 = tpu.memref_squeeze %dma_start3A_22 : memref<1x128x64xf32, #tpu.memory_space<vmem>> -> memref<128x64xf32, #tpu.memory_space<vmem>>
    %dma_start3A_24 = arith.constant 0 : i32
    %dma_start3A_25 = tpu.memref_slice %arg7[%dma_start3A_18, %dma_start3A_24] : memref<158x128xi32, #tpu.memory_space<vmem>> -> memref<1x128xi32, #tpu.memory_space<vmem>>
    %dma_start3A_26 = tpu.memref_squeeze %dma_start3A_25 : memref<1x128xi32, #tpu.memory_space<vmem>> -> memref<128xi32, #tpu.memory_space<vmem>>
    %dma_start3A_27 = arith.constant 0 : i32
    %dma_start3A_28 = arith.constant 0 : i32
    %dma_start3A_29 = tpu.memref_slice %arg2[%arg0, %dma_start3A_27, %dma_start3A_28] : memref<2x10000x64xf32, #tpu.memory_space<hbm>> -> memref<1x10000x64xf32, #tpu.memory_space<hbm>>
    %dma_start3A_30 = tpu.memref_squeeze %dma_start3A_29 : memref<1x10000x64xf32, #tpu.memory_space<hbm>> -> memref<10000x64xf32, #tpu.memory_space<hbm>>
    %dma_start3A_31 = arith.constant 0 : i32
    %dma_start3A_32 = arith.constant 0 : i32
    %dma_start3A_33 = tpu.memref_slice %dma_start3A_30[%dma_start3A_31, %dma_start3A_32] : memref<10000x64xf32, #tpu.memory_space<hbm>> -> memref<10000x64xf32, #tpu.memory_space<hbm>>
    tpu.enqueue_indirect_dma source(%dma_start3A_33 : memref<10000x64xf32, #tpu.memory_space<hbm>>) target(%dma_start3A_23 : memref<128x64xf32, #tpu.memory_space<vmem>>) offsets(%dma_start3A_26 : memref<128xi32, #tpu.memory_space<vmem>>) semaphore(%arg12 : memref<!tpu.dma_semaphore, #tpu.memory_space<semaphore_mem>>)
    %scan3A = arith.constant 0 : i32
    %scan3A_34 = arith.constant 0 : i32
    %scan3A_35 = arith.constant 79 : i32
    %scan3A_36 = arith.addi %scan3A_34, %scan3A_35 : i32
    %scan3A_37 = arith.constant 1 : i32
    scf.for %scan3A_44 = %scan3A_34 to %scan3A_36 step %scan3A_37  : i32 {
      %mul3A_45 = arith.constant 2 : i32
      %mul3A_46 = arith.muli %scan3A_44, %mul3A_45 : i32
      %add3A = arith.constant 0 : i32
      %add3A_47 = arith.addi %mul3A_46, %add3A : i32
      %dma_wait3A = arith.constant 0 : i32
      %dma_wait3A_48 = arith.constant 0 : i32
      %dma_wait3A_49 = arith.constant 0 : i32
      %dma_wait3A_50 = tpu.memref_slice %arg9[%dma_wait3A, %dma_wait3A_48, %dma_wait3A_49] : memref<2x128x64xf32, #tpu.memory_space<vmem>> -> memref<1x128x64xf32, #tpu.memory_space<vmem>>
      %dma_wait3A_51 = tpu.memref_squeeze %dma_wait3A_50 : memref<1x128x64xf32, #tpu.memory_space<vmem>> -> memref<128x64xf32, #tpu.memory_space<vmem>>
      %dma_wait3A_52 = arith.constant 0 : i32
      %dma_wait3A_53 = tpu.memref_slice %arg7[%add3A_47, %dma_wait3A_52] : memref<158x128xi32, #tpu.memory_space<vmem>> -> memref<1x128xi32, #tpu.memory_space<vmem>>
      %dma_wait3A_54 = tpu.memref_squeeze %dma_wait3A_53 : memref<1x128xi32, #tpu.memory_space<vmem>> -> memref<128xi32, #tpu.memory_space<vmem>>
      %dma_wait3A_55 = arith.constant 0 : i32
      %dma_wait3A_56 = arith.constant 0 : i32
      %dma_wait3A_57 = tpu.memref_slice %arg2[%arg0, %dma_wait3A_55, %dma_wait3A_56] : memref<2x10000x64xf32, #tpu.memory_space<hbm>> -> memref<1x10000x64xf32, #tpu.memory_space<hbm>>
      %dma_wait3A_58 = tpu.memref_squeeze %dma_wait3A_57 : memref<1x10000x64xf32, #tpu.memory_space<hbm>> -> memref<10000x64xf32, #tpu.memory_space<hbm>>
      %dma_wait3A_59 = arith.constant 0 : i32
      %dma_wait3A_60 = arith.constant 0 : i32
      %dma_wait3A_61 = tpu.memref_slice %dma_wait3A_58[%dma_wait3A_59, %dma_wait3A_60] : memref<10000x64xf32, #tpu.memory_space<hbm>> -> memref<10000x64xf32, #tpu.memory_space<hbm>>
      tpu.wait_indirect_dma semaphore(%arg11 : memref<!tpu.dma_semaphore, #tpu.memory_space<semaphore_mem>>) src(%dma_wait3A_61 : memref<10000x64xf32, #tpu.memory_space<hbm>>) dst(%dma_wait3A_51 : memref<128x64xf32, #tpu.memory_space<vmem>>)
      %run_scoped3A = arith.constant 0 : i32
      "tpu.region"() ({
        %run_scoped3A_91 = tpu.sem_alloc : memref<!tpu.dma_semaphore, #tpu.memory_space<semaphore_mem>>
        %dma_start3A_92 = arith.constant 0 : i32
        %dma_start3A_93 = arith.constant 0 : i32
        %dma_start3A_94 = tpu.memref_slice %arg9[%run_scoped3A, %dma_start3A_92, %dma_start3A_93] : memref<2x128x64xf32, #tpu.memory_space<vmem>> -> memref<1x128x64xf32, #tpu.memory_space<vmem>>
        %dma_start3A_95 = tpu.memref_squeeze %dma_start3A_94 : memref<1x128x64xf32, #tpu.memory_space<vmem>> -> memref<128x64xf32, #tpu.memory_space<vmem>>
        %dma_start3A_96 = arith.constant 0 : i32
        %dma_start3A_97 = tpu.memref_slice %arg8[%add3A_47, %dma_start3A_96] : memref<158x128xi32, #tpu.memory_space<vmem>> -> memref<1x128xi32, #tpu.memory_space<vmem>>
        %dma_start3A_98 = tpu.memref_squeeze %dma_start3A_97 : memref<1x128xi32, #tpu.memory_space<vmem>> -> memref<128xi32, #tpu.memory_space<vmem>>
        %dma_start3A_99 = arith.constant 0 : i32
        %dma_start3A_100 = arith.constant 0 : i32
        %dma_start3A_101 = tpu.memref_slice %arg10[%dma_start3A_99, %dma_start3A_100] : memref<10112x64xf32, #tpu.memory_space<vmem_shared>> -> memref<10112x64xf32, #tpu.memory_space<vmem_shared>>
        tpu.enqueue_indirect_dma source(%dma_start3A_95 : memref<128x64xf32, #tpu.memory_space<vmem>>) target(%dma_start3A_101 : memref<10112x64xf32, #tpu.memory_space<vmem_shared>>) offsets(%dma_start3A_98 : memref<128xi32, #tpu.memory_space<vmem>>) semaphore(%run_scoped3A_91 : memref<!tpu.dma_semaphore, #tpu.memory_space<semaphore_mem>>) {add = true}
        %dma_wait3A_102 = arith.constant 0 : i32
        %dma_wait3A_103 = arith.constant 0 : i32
        %dma_wait3A_104 = tpu.memref_slice %arg9[%run_scoped3A, %dma_wait3A_102, %dma_wait3A_103] : memref<2x128x64xf32, #tpu.memory_space<vmem>> -> memref<1x128x64xf32, #tpu.memory_space<vmem>>
        %dma_wait3A_105 = tpu.memref_squeeze %dma_wait3A_104 : memref<1x128x64xf32, #tpu.memory_space<vmem>> -> memref<128x64xf32, #tpu.memory_space<vmem>>
        %dma_wait3A_106 = arith.constant 0 : i32
        %dma_wait3A_107 = tpu.memref_slice %arg8[%add3A_47, %dma_wait3A_106] : memref<158x128xi32, #tpu.memory_space<vmem>> -> memref<1x128xi32, #tpu.memory_space<vmem>>
        %dma_wait3A_108 = tpu.memref_squeeze %dma_wait3A_107 : memref<1x128xi32, #tpu.memory_space<vmem>> -> memref<128xi32, #tpu.memory_space<vmem>>
        %dma_wait3A_109 = arith.constant 0 : i32
        %dma_wait3A_110 = arith.constant 0 : i32
        %dma_wait3A_111 = tpu.memref_slice %arg10[%dma_wait3A_109, %dma_wait3A_110] : memref<10112x64xf32, #tpu.memory_space<vmem_shared>> -> memref<10112x64xf32, #tpu.memory_space<vmem_shared>>
        tpu.wait_indirect_dma semaphore(%run_scoped3A_91 : memref<!tpu.dma_semaphore, #tpu.memory_space<semaphore_mem>>) src(%dma_wait3A_105 : memref<128x64xf32, #tpu.memory_space<vmem>>) dst(%dma_wait3A_111 : memref<10112x64xf32, #tpu.memory_space<vmem_shared>>)
        tpu.yield
      }) : () -> ()
      %add3A_62 = arith.constant 2 : i32
      %add3A_63 = arith.addi %add3A_47, %add3A_62 : i32
      %lt3A = arith.constant 158 : i32
      %lt3A_64 = arith.cmpi slt, %add3A_63, %lt3A : i32
      %convert_element_type3A = arith.extui %lt3A_64 : i1 to i32
      %cond3A = arith.constant 0 : i32
      %cond3A_65 = arith.cmpi ne, %convert_element_type3A, %cond3A : i32
      scf.if %cond3A_65 {
        %add3A_91 = arith.constant 2 : i32
        %add3A_92 = arith.addi %add3A_47, %add3A_91 : i32
        %dma_start3A_93 = arith.constant 0 : i32
        %dma_start3A_94 = arith.constant 0 : i32
        %dma_start3A_95 = arith.constant 0 : i32
        %dma_start3A_96 = tpu.memref_slice %arg9[%dma_start3A_93, %dma_start3A_94, %dma_start3A_95] : memref<2x128x64xf32, #tpu.memory_space<vmem>> -> memref<1x128x64xf32, #tpu.memory_space<vmem>>
        %dma_start3A_97 = tpu.memref_squeeze %dma_start3A_96 : memref<1x128x64xf32, #tpu.memory_space<vmem>> -> memref<128x64xf32, #tpu.memory_space<vmem>>
        %dma_start3A_98 = arith.constant 0 : i32
        %dma_start3A_99 = tpu.memref_slice %arg7[%add3A_92, %dma_start3A_98] : memref<158x128xi32, #tpu.memory_space<vmem>> -> memref<1x128xi32, #tpu.memory_space<vmem>>
        %dma_start3A_100 = tpu.memref_squeeze %dma_start3A_99 : memref<1x128xi32, #tpu.memory_space<vmem>> -> memref<128xi32, #tpu.memory_space<vmem>>
        %dma_start3A_101 = arith.constant 0 : i32
        %dma_start3A_102 = arith.constant 0 : i32
        %dma_start3A_103 = tpu.memref_slice %arg2[%arg0, %dma_start3A_101, %dma_start3A_102] : memref<2x10000x64xf32, #tpu.memory_space<hbm>> -> memref<1x10000x64xf32, #tpu.memory_space<hbm>>
        %dma_start3A_104 = tpu.memref_squeeze %dma_start3A_103 : memref<1x10000x64xf32, #tpu.memory_space<hbm>> -> memref<10000x64xf32, #tpu.memory_space<hbm>>
        %dma_start3A_105 = arith.constant 0 : i32
        %dma_start3A_106 = arith.constant 0 : i32
        %dma_start3A_107 = tpu.memref_slice %dma_start3A_104[%dma_start3A_105, %dma_start3A_106] : memref<10000x64xf32, #tpu.memory_space<hbm>> -> memref<10000x64xf32, #tpu.memory_space<hbm>>
        tpu.enqueue_indirect_dma source(%dma_start3A_107 : memref<10000x64xf32, #tpu.memory_space<hbm>>) target(%dma_start3A_97 : memref<128x64xf32, #tpu.memory_space<vmem>>) offsets(%dma_start3A_100 : memref<128xi32, #tpu.memory_space<vmem>>) semaphore(%arg11 : memref<!tpu.dma_semaphore, #tpu.memory_space<semaphore_mem>>)
      } else {
      }
      %add3A_66 = arith.constant 1 : i32
      %add3A_67 = arith.addi %mul3A_46, %add3A_66 : i32
      %dma_wait3A_68 = arith.constant 1 : i32
      %dma_wait3A_69 = arith.constant 0 : i32
      %dma_wait3A_70 = arith.constant 0 : i32
      %dma_wait3A_71 = tpu.memref_slice %arg9[%dma_wait3A_68, %dma_wait3A_69, %dma_wait3A_70] : memref<2x128x64xf32, #tpu.memory_space<vmem>> -> memref<1x128x64xf32, #tpu.memory_space<vmem>>
      %dma_wait3A_72 = tpu.memref_squeeze %dma_wait3A_71 : memref<1x128x64xf32, #tpu.memory_space<vmem>> -> memref<128x64xf32, #tpu.memory_space<vmem>>
      %dma_wait3A_73 = arith.constant 0 : i32
      %dma_wait3A_74 = tpu.memref_slice %arg7[%add3A_67, %dma_wait3A_73] : memref<158x128xi32, #tpu.memory_space<vmem>> -> memref<1x128xi32, #tpu.memory_space<vmem>>
      %dma_wait3A_75 = tpu.memref_squeeze %dma_wait3A_74 : memref<1x128xi32, #tpu.memory_space<vmem>> -> memref<128xi32, #tpu.memory_space<vmem>>
      %dma_wait3A_76 = arith.constant 0 : i32
      %dma_wait3A_77 = arith.constant 0 : i32
      %dma_wait3A_78 = tpu.memref_slice %arg2[%arg0, %dma_wait3A_76, %dma_wait3A_77] : memref<2x10000x64xf32, #tpu.memory_space<hbm>> -> memref<1x10000x64xf32, #tpu.memory_space<hbm>>
      %dma_wait3A_79 = tpu.memref_squeeze %dma_wait3A_78 : memref<1x10000x64xf32, #tpu.memory_space<hbm>> -> memref<10000x64xf32, #tpu.memory_space<hbm>>
      %dma_wait3A_80 = arith.constant 0 : i32
      %dma_wait3A_81 = arith.constant 0 : i32
      %dma_wait3A_82 = tpu.memref_slice %dma_wait3A_79[%dma_wait3A_80, %dma_wait3A_81] : memref<10000x64xf32, #tpu.memory_space<hbm>> -> memref<10000x64xf32, #tpu.memory_space<hbm>>
      tpu.wait_indirect_dma semaphore(%arg12 : memref<!tpu.dma_semaphore, #tpu.memory_space<semaphore_mem>>) src(%dma_wait3A_82 : memref<10000x64xf32, #tpu.memory_space<hbm>>) dst(%dma_wait3A_72 : memref<128x64xf32, #tpu.memory_space<vmem>>)
      %run_scoped3A_83 = arith.constant 1 : i32
      "tpu.region"() ({
        %run_scoped3A_91 = tpu.sem_alloc : memref<!tpu.dma_semaphore, #tpu.memory_space<semaphore_mem>>
        %dma_start3A_92 = arith.constant 0 : i32
        %dma_start3A_93 = arith.constant 0 : i32
        %dma_start3A_94 = tpu.memref_slice %arg9[%run_scoped3A_83, %dma_start3A_92, %dma_start3A_93] : memref<2x128x64xf32, #tpu.memory_space<vmem>> -> memref<1x128x64xf32, #tpu.memory_space<vmem>>
        %dma_start3A_95 = tpu.memref_squeeze %dma_start3A_94 : memref<1x128x64xf32, #tpu.memory_space<vmem>> -> memref<128x64xf32, #tpu.memory_space<vmem>>
        %dma_start3A_96 = arith.constant 0 : i32
        %dma_start3A_97 = tpu.memref_slice %arg8[%add3A_67, %dma_start3A_96] : memref<158x128xi32, #tpu.memory_space<vmem>> -> memref<1x128xi32, #tpu.memory_space<vmem>>
        %dma_start3A_98 = tpu.memref_squeeze %dma_start3A_97 : memref<1x128xi32, #tpu.memory_space<vmem>> -> memref<128xi32, #tpu.memory_space<vmem>>
        %dma_start3A_99 = arith.constant 0 : i32
        %dma_start3A_100 = arith.constant 0 : i32
        %dma_start3A_101 = tpu.memref_slice %arg10[%dma_start3A_99, %dma_start3A_100] : memref<10112x64xf32, #tpu.memory_space<vmem_shared>> -> memref<10112x64xf32, #tpu.memory_space<vmem_shared>>
        tpu.enqueue_indirect_dma source(%dma_start3A_95 : memref<128x64xf32, #tpu.memory_space<vmem>>) target(%dma_start3A_101 : memref<10112x64xf32, #tpu.memory_space<vmem_shared>>) offsets(%dma_start3A_98 : memref<128xi32, #tpu.memory_space<vmem>>) semaphore(%run_scoped3A_91 : memref<!tpu.dma_semaphore, #tpu.memory_space<semaphore_mem>>) {add = true}
        %dma_wait3A_102 = arith.constant 0 : i32
        %dma_wait3A_103 = arith.constant 0 : i32
        %dma_wait3A_104 = tpu.memref_slice %arg9[%run_scoped3A_83, %dma_wait3A_102, %dma_wait3A_103] : memref<2x128x64xf32, #tpu.memory_space<vmem>> -> memref<1x128x64xf32, #tpu.memory_space<vmem>>
        %dma_wait3A_105 = tpu.memref_squeeze %dma_wait3A_104 : memref<1x128x64xf32, #tpu.memory_space<vmem>> -> memref<128x64xf32, #tpu.memory_space<vmem>>
        %dma_wait3A_106 = arith.constant 0 : i32
        %dma_wait3A_107 = tpu.memref_slice %arg8[%add3A_67, %dma_wait3A_106] : memref<158x128xi32, #tpu.memory_space<vmem>> -> memref<1x128xi32, #tpu.memory_space<vmem>>
        %dma_wait3A_108 = tpu.memref_squeeze %dma_wait3A_107 : memref<1x128xi32, #tpu.memory_space<vmem>> -> memref<128xi32, #tpu.memory_space<vmem>>
        %dma_wait3A_109 = arith.constant 0 : i32
        %dma_wait3A_110 = arith.constant 0 : i32
        %dma_wait3A_111 = tpu.memref_slice %arg10[%dma_wait3A_109, %dma_wait3A_110] : memref<10112x64xf32, #tpu.memory_space<vmem_shared>> -> memref<10112x64xf32, #tpu.memory_space<vmem_shared>>
        tpu.wait_indirect_dma semaphore(%run_scoped3A_91 : memref<!tpu.dma_semaphore, #tpu.memory_space<semaphore_mem>>) src(%dma_wait3A_105 : memref<128x64xf32, #tpu.memory_space<vmem>>) dst(%dma_wait3A_111 : memref<10112x64xf32, #tpu.memory_space<vmem_shared>>)
        tpu.yield
      }) : () -> ()
      %add3A_84 = arith.constant 2 : i32
      %add3A_85 = arith.addi %add3A_67, %add3A_84 : i32
      %lt3A_86 = arith.constant 158 : i32
      %lt3A_87 = arith.cmpi slt, %add3A_85, %lt3A_86 : i32
      %convert_element_type3A_88 = arith.extui %lt3A_87 : i1 to i32
      %cond3A_89 = arith.constant 0 : i32
      %cond3A_90 = arith.cmpi ne, %convert_element_type3A_88, %cond3A_89 : i32
      scf.if %cond3A_90 {
        %add3A_91 = arith.constant 2 : i32
        %add3A_92 = arith.addi %add3A_67, %add3A_91 : i32
        %dma_start3A_93 = arith.constant 1 : i32
        %dma_start3A_94 = arith.constant 0 : i32
        %dma_start3A_95 = arith.constant 0 : i32
        %dma_start3A_96 = tpu.memref_slice %arg9[%dma_start3A_93, %dma_start3A_94, %dma_start3A_95] : memref<2x128x64xf32, #tpu.memory_space<vmem>> -> memref<1x128x64xf32, #tpu.memory_space<vmem>>
        %dma_start3A_97 = tpu.memref_squeeze %dma_start3A_96 : memref<1x128x64xf32, #tpu.memory_space<vmem>> -> memref<128x64xf32, #tpu.memory_space<vmem>>
        %dma_start3A_98 = arith.constant 0 : i32
        %dma_start3A_99 = tpu.memref_slice %arg7[%add3A_92, %dma_start3A_98] : memref<158x128xi32, #tpu.memory_space<vmem>> -> memref<1x128xi32, #tpu.memory_space<vmem>>
        %dma_start3A_100 = tpu.memref_squeeze %dma_start3A_99 : memref<1x128xi32, #tpu.memory_space<vmem>> -> memref<128xi32, #tpu.memory_space<vmem>>
        %dma_start3A_101 = arith.constant 0 : i32
        %dma_start3A_102 = arith.constant 0 : i32
        %dma_start3A_103 = tpu.memref_slice %arg2[%arg0, %dma_start3A_101, %dma_start3A_102] : memref<2x10000x64xf32, #tpu.memory_space<hbm>> -> memref<1x10000x64xf32, #tpu.memory_space<hbm>>
        %dma_start3A_104 = tpu.memref_squeeze %dma_start3A_103 : memref<1x10000x64xf32, #tpu.memory_space<hbm>> -> memref<10000x64xf32, #tpu.memory_space<hbm>>
        %dma_start3A_105 = arith.constant 0 : i32
        %dma_start3A_106 = arith.constant 0 : i32
        %dma_start3A_107 = tpu.memref_slice %dma_start3A_104[%dma_start3A_105, %dma_start3A_106] : memref<10000x64xf32, #tpu.memory_space<hbm>> -> memref<10000x64xf32, #tpu.memory_space<hbm>>
        tpu.enqueue_indirect_dma source(%dma_start3A_107 : memref<10000x64xf32, #tpu.memory_space<hbm>>) target(%dma_start3A_97 : memref<128x64xf32, #tpu.memory_space<vmem>>) offsets(%dma_start3A_100 : memref<128xi32, #tpu.memory_space<vmem>>) semaphore(%arg12 : memref<!tpu.dma_semaphore, #tpu.memory_space<semaphore_mem>>)
      } else {
      }
    }
    %scan3A_38 = arith.constant 79 : i32
    %barrier3A_39 = arith.constant 0 : index
    tpu.barrier barrier_id(%barrier3A_39)
    %mul3A_40 = arith.constant 632 : i32
    %mul3A_41 = arith.muli %arg1, %mul3A_40 : i32
    %mul3A_42 = arith.constant 632 : i32
    %mul3A_43 = arith.muli %arg1, %mul3A_42 : i32
    "tpu.region"() ({
      %run_scoped3A = tpu.sem_alloc : memref<!tpu.dma_semaphore, #tpu.memory_space<semaphore_mem>>
      %dma_start3A_44 = tpu.memref_slice %arg6[%mul3A_43, %mul3A_0] : memref<10112x128xf32, #tpu.memory_space<hbm>> -> memref<632x64xf32, #tpu.memory_space<hbm>>
      %dma_start3A_45 = arith.constant 0 : i32
      %dma_start3A_46 = tpu.memref_slice %arg10[%mul3A_41, %dma_start3A_45] : memref<10112x64xf32, #tpu.memory_space<vmem_shared>> -> memref<632x64xf32, #tpu.memory_space<vmem_shared>>
      tpu.enqueue_dma source(%dma_start3A_46 : memref<632x64xf32, #tpu.memory_space<vmem_shared>>) target(%dma_start3A_44 : memref<632x64xf32, #tpu.memory_space<hbm>>) target_semaphore(%run_scoped3A : memref<!tpu.dma_semaphore, #tpu.memory_space<semaphore_mem>>)
      %dma_wait3A = tpu.memref_slice %arg6[%mul3A_43, %mul3A_0] : memref<10112x128xf32, #tpu.memory_space<hbm>> -> memref<632x64xf32, #tpu.memory_space<hbm>>
      %dma_wait3A_47 = arith.constant 0 : i32
      %dma_wait3A_48 = tpu.memref_slice %arg10[%mul3A_41, %dma_wait3A_47] : memref<10112x64xf32, #tpu.memory_space<vmem_shared>> -> memref<632x64xf32, #tpu.memory_space<vmem_shared>>
      tpu.wait_dma2 semaphore(%run_scoped3A : memref<!tpu.dma_semaphore, #tpu.memory_space<semaphore_mem>>) src(%dma_wait3A_48 : memref<632x64xf32, #tpu.memory_space<vmem_shared>>) dst(%dma_wait3A : memref<632x64xf32, #tpu.memory_space<hbm>>)
      tpu.yield
    }) : () -> ()
    return
  }
}

#map = affine_map<(d0, d1) -> (0, 0, 0)>
#map1 = affine_map<(d0, d1) -> (0, 0)>
module attributes {stable_mosaic.version = 14 : i64} {
  func.func @agg(%arg0: i32, %arg1: i32, %arg2: memref<2x10000x64xf32, #tpu.memory_space<hbm>>, %arg3: memref<16x158x128xi32, #tpu.memory_space<hbm>>, %arg4: memref<16x158x128xi32, #tpu.memory_space<hbm>>, %arg5: memref<632x64xf32, #tpu.memory_space<hbm>>, %arg6: memref<10112x128xf32, #tpu.memory_space<hbm>>, %arg7: memref<158x128xi32, #tpu.memory_space<vmem>>, %arg8: memref<158x128xi32, #tpu.memory_space<vmem>>, %arg9: memref<2x128x64xf32, #tpu.memory_space<vmem>>, %arg10: memref<10112x64xf32, #tpu.memory_space<vmem_shared>>, %arg11: memref<!tpu.dma_semaphore, #tpu.memory_space<semaphore_mem>>, %arg12: memref<!tpu.dma_semaphore, #tpu.memory_space<semaphore_mem>>) attributes {dimension_semantics = [#tpu.dimension_semantics<core_parallel>, #tpu.dimension_semantics<subcore_parallel>], iteration_bounds = array<i64: 2, 16>, scalar_prefetch = 0 : i64, scratch_operands = 6 : i64, tpu.core_type = #tpu.core_type<sc_vector_subcore>, window_params = [{transform_indices = #map}, {transform_indices = #map}, {transform_indices = #map}, {transform_indices = #map1}, {transform_indices = #map1}]} {
    %mul3A = arith.constant 64 : i32
    %mul3A_0 = arith.muli %arg0, %mul3A : i32
    %mul3A_1 = arith.constant 632 : i32
    %mul3A_2 = arith.muli %arg1, %mul3A_1 : i32
    "tpu.region"() ({
      %run_scoped3A = tpu.sem_alloc : memref<!tpu.dma_semaphore, #tpu.memory_space<semaphore_mem>>
      %dma_start3A_44 = arith.constant 0 : i32
      %dma_start3A_45 = tpu.memref_slice %arg10[%mul3A_2, %dma_start3A_44] : memref<10112x64xf32, #tpu.memory_space<vmem_shared>> -> memref<632x64xf32, #tpu.memory_space<vmem_shared>>
      tpu.enqueue_dma source(%arg5 : memref<632x64xf32, #tpu.memory_space<hbm>>) target(%dma_start3A_45 : memref<632x64xf32, #tpu.memory_space<vmem_shared>>) target_semaphore(%run_scoped3A : memref<!tpu.dma_semaphore, #tpu.memory_space<semaphore_mem>>)
      %dma_wait3A = arith.constant 0 : i32
      %dma_wait3A_46 = tpu.memref_slice %arg10[%mul3A_2, %dma_wait3A] : memref<10112x64xf32, #tpu.memory_space<vmem_shared>> -> memref<632x64xf32, #tpu.memory_space<vmem_shared>>
      tpu.wait_dma2 semaphore(%run_scoped3A : memref<!tpu.dma_semaphore, #tpu.memory_space<semaphore_mem>>) src(%arg5 : memref<632x64xf32, #tpu.memory_space<hbm>>) dst(%dma_wait3A_46 : memref<632x64xf32, #tpu.memory_space<vmem_shared>>)
      tpu.yield
    }) : () -> ()
    "tpu.region"() ({
      %run_scoped3A = tpu.sem_alloc : memref<!tpu.dma_semaphore, #tpu.memory_space<semaphore_mem>>
      %dma_start3A_44 = arith.constant 0 : i32
      %dma_start3A_45 = arith.constant 0 : i32
      %dma_start3A_46 = tpu.memref_slice %arg3[%arg1, %dma_start3A_44, %dma_start3A_45] : memref<16x158x128xi32, #tpu.memory_space<hbm>> -> memref<1x158x128xi32, #tpu.memory_space<hbm>>
      %dma_start3A_47 = tpu.memref_squeeze %dma_start3A_46 : memref<1x158x128xi32, #tpu.memory_space<hbm>> -> memref<158x128xi32, #tpu.memory_space<hbm>>
      %dma_start3A_48 = arith.constant 0 : i32
      %dma_start3A_49 = arith.constant 0 : i32
      %dma_start3A_50 = tpu.memref_slice %arg3[%arg1, %dma_start3A_48, %dma_start3A_49] : memref<16x158x128xi32, #tpu.memory_space<hbm>> -> memref<1x158x128xi32, #tpu.memory_space<hbm>>
      %dma_start3A_51 = tpu.memref_squeeze %dma_start3A_50 : memref<1x158x128xi32, #tpu.memory_space<hbm>> -> memref<158x128xi32, #tpu.memory_space<hbm>>
      tpu.enqueue_dma source(%dma_start3A_51 : memref<158x128xi32, #tpu.memory_space<hbm>>) target(%arg7 : memref<158x128xi32, #tpu.memory_space<vmem>>) target_semaphore(%run_scoped3A : memref<!tpu.dma_semaphore, #tpu.memory_space<semaphore_mem>>)
      %dma_wait3A = arith.constant 0 : i32
      %dma_wait3A_52 = arith.constant 0 : i32
      %dma_wait3A_53 = tpu.memref_slice %arg3[%arg1, %dma_wait3A, %dma_wait3A_52] : memref<16x158x128xi32, #tpu.memory_space<hbm>> -> memref<1x158x128xi32, #tpu.memory_space<hbm>>
      %dma_wait3A_54 = tpu.memref_squeeze %dma_wait3A_53 : memref<1x158x128xi32, #tpu.memory_space<hbm>> -> memref<158x128xi32, #tpu.memory_space<hbm>>
      %dma_wait3A_55 = arith.constant 0 : i32
      %dma_wait3A_56 = arith.constant 0 : i32
      %dma_wait3A_57 = tpu.memref_slice %arg3[%arg1, %dma_wait3A_55, %dma_wait3A_56] : memref<16x158x128xi32, #tpu.memory_space<hbm>> -> memref<1x158x128xi32, #tpu.memory_space<hbm>>
      %dma_wait3A_58 = tpu.memref_squeeze %dma_wait3A_57 : memref<1x158x128xi32, #tpu.memory_space<hbm>> -> memref<158x128xi32, #tpu.memory_space<hbm>>
      tpu.wait_dma2 semaphore(%run_scoped3A : memref<!tpu.dma_semaphore, #tpu.memory_space<semaphore_mem>>) src(%dma_wait3A_58 : memref<158x128xi32, #tpu.memory_space<hbm>>) dst(%arg7 : memref<158x128xi32, #tpu.memory_space<vmem>>)
      tpu.yield
    }) : () -> ()
    "tpu.region"() ({
      %run_scoped3A = tpu.sem_alloc : memref<!tpu.dma_semaphore, #tpu.memory_space<semaphore_mem>>
      %dma_start3A_44 = arith.constant 0 : i32
      %dma_start3A_45 = arith.constant 0 : i32
      %dma_start3A_46 = tpu.memref_slice %arg4[%arg1, %dma_start3A_44, %dma_start3A_45] : memref<16x158x128xi32, #tpu.memory_space<hbm>> -> memref<1x158x128xi32, #tpu.memory_space<hbm>>
      %dma_start3A_47 = tpu.memref_squeeze %dma_start3A_46 : memref<1x158x128xi32, #tpu.memory_space<hbm>> -> memref<158x128xi32, #tpu.memory_space<hbm>>
      %dma_start3A_48 = arith.constant 0 : i32
      %dma_start3A_49 = arith.constant 0 : i32
      %dma_start3A_50 = tpu.memref_slice %arg4[%arg1, %dma_start3A_48, %dma_start3A_49] : memref<16x158x128xi32, #tpu.memory_space<hbm>> -> memref<1x158x128xi32, #tpu.memory_space<hbm>>
      %dma_start3A_51 = tpu.memref_squeeze %dma_start3A_50 : memref<1x158x128xi32, #tpu.memory_space<hbm>> -> memref<158x128xi32, #tpu.memory_space<hbm>>
      tpu.enqueue_dma source(%dma_start3A_51 : memref<158x128xi32, #tpu.memory_space<hbm>>) target(%arg8 : memref<158x128xi32, #tpu.memory_space<vmem>>) target_semaphore(%run_scoped3A : memref<!tpu.dma_semaphore, #tpu.memory_space<semaphore_mem>>)
      %dma_wait3A = arith.constant 0 : i32
      %dma_wait3A_52 = arith.constant 0 : i32
      %dma_wait3A_53 = tpu.memref_slice %arg4[%arg1, %dma_wait3A, %dma_wait3A_52] : memref<16x158x128xi32, #tpu.memory_space<hbm>> -> memref<1x158x128xi32, #tpu.memory_space<hbm>>
      %dma_wait3A_54 = tpu.memref_squeeze %dma_wait3A_53 : memref<1x158x128xi32, #tpu.memory_space<hbm>> -> memref<158x128xi32, #tpu.memory_space<hbm>>
      %dma_wait3A_55 = arith.constant 0 : i32
      %dma_wait3A_56 = arith.constant 0 : i32
      %dma_wait3A_57 = tpu.memref_slice %arg4[%arg1, %dma_wait3A_55, %dma_wait3A_56] : memref<16x158x128xi32, #tpu.memory_space<hbm>> -> memref<1x158x128xi32, #tpu.memory_space<hbm>>
      %dma_wait3A_58 = tpu.memref_squeeze %dma_wait3A_57 : memref<1x158x128xi32, #tpu.memory_space<hbm>> -> memref<158x128xi32, #tpu.memory_space<hbm>>
      tpu.wait_dma2 semaphore(%run_scoped3A : memref<!tpu.dma_semaphore, #tpu.memory_space<semaphore_mem>>) src(%dma_wait3A_58 : memref<158x128xi32, #tpu.memory_space<hbm>>) dst(%arg8 : memref<158x128xi32, #tpu.memory_space<vmem>>)
      tpu.yield
    }) : () -> ()
    %barrier3A = arith.constant 0 : index
    tpu.barrier barrier_id(%barrier3A)
    %dma_start3A = arith.constant 0 : i32
    %dma_start3A_3 = arith.constant 0 : i32
    %dma_start3A_4 = arith.constant 0 : i32
    %dma_start3A_5 = arith.constant 0 : i32
    %dma_start3A_6 = tpu.memref_slice %arg9[%dma_start3A_3, %dma_start3A_4, %dma_start3A_5] : memref<2x128x64xf32, #tpu.memory_space<vmem>> -> memref<1x128x64xf32, #tpu.memory_space<vmem>>
    %dma_start3A_7 = tpu.memref_squeeze %dma_start3A_6 : memref<1x128x64xf32, #tpu.memory_space<vmem>> -> memref<128x64xf32, #tpu.memory_space<vmem>>
    %dma_start3A_8 = arith.constant 0 : i32
    %dma_start3A_9 = tpu.memref_slice %arg7[%dma_start3A, %dma_start3A_8] : memref<158x128xi32, #tpu.memory_space<vmem>> -> memref<1x128xi32, #tpu.memory_space<vmem>>
    %dma_start3A_10 = tpu.memref_squeeze %dma_start3A_9 : memref<1x128xi32, #tpu.memory_space<vmem>> -> memref<128xi32, #tpu.memory_space<vmem>>
    %dma_start3A_11 = arith.constant 0 : i32
    %dma_start3A_12 = arith.constant 0 : i32
    %dma_start3A_13 = tpu.memref_slice %arg2[%arg0, %dma_start3A_11, %dma_start3A_12] : memref<2x10000x64xf32, #tpu.memory_space<hbm>> -> memref<1x10000x64xf32, #tpu.memory_space<hbm>>
    %dma_start3A_14 = tpu.memref_squeeze %dma_start3A_13 : memref<1x10000x64xf32, #tpu.memory_space<hbm>> -> memref<10000x64xf32, #tpu.memory_space<hbm>>
    %dma_start3A_15 = arith.constant 0 : i32
    %dma_start3A_16 = arith.constant 0 : i32
    %dma_start3A_17 = tpu.memref_slice %dma_start3A_14[%dma_start3A_15, %dma_start3A_16] : memref<10000x64xf32, #tpu.memory_space<hbm>> -> memref<10000x64xf32, #tpu.memory_space<hbm>>
    tpu.enqueue_indirect_dma source(%dma_start3A_17 : memref<10000x64xf32, #tpu.memory_space<hbm>>) target(%dma_start3A_7 : memref<128x64xf32, #tpu.memory_space<vmem>>) offsets(%dma_start3A_10 : memref<128xi32, #tpu.memory_space<vmem>>) semaphore(%arg11 : memref<!tpu.dma_semaphore, #tpu.memory_space<semaphore_mem>>)
    %dma_start3A_18 = arith.constant 1 : i32
    %dma_start3A_19 = arith.constant 1 : i32
    %dma_start3A_20 = arith.constant 0 : i32
    %dma_start3A_21 = arith.constant 0 : i32
    %dma_start3A_22 = tpu.memref_slice %arg9[%dma_start3A_19, %dma_start3A_20, %dma_start3A_21] : memref<2x128x64xf32, #tpu.memory_space<vmem>> -> memref<1x128x64xf32, #tpu.memory_space<vmem>>
    %dma_start3A_23 = tpu.memref_squeeze %dma_start3A_22 : memref<1x128x64xf32, #tpu.memory_space<vmem>> -> memref<128x64xf32, #tpu.memory_space<vmem>>
    %dma_start3A_24 = arith.constant 0 : i32
    %dma_start3A_25 = tpu.memref_slice %arg7[%dma_start3A_18, %dma_start3A_24] : memref<158x128xi32, #tpu.memory_space<vmem>> -> memref<1x128xi32, #tpu.memory_space<vmem>>
    %dma_start3A_26 = tpu.memref_squeeze %dma_start3A_25 : memref<1x128xi32, #tpu.memory_space<vmem>> -> memref<128xi32, #tpu.memory_space<vmem>>
    %dma_start3A_27 = arith.constant 0 : i32
    %dma_start3A_28 = arith.constant 0 : i32
    %dma_start3A_29 = tpu.memref_slice %arg2[%arg0, %dma_start3A_27, %dma_start3A_28] : memref<2x10000x64xf32, #tpu.memory_space<hbm>> -> memref<1x10000x64xf32, #tpu.memory_space<hbm>>
    %dma_start3A_30 = tpu.memref_squeeze %dma_start3A_29 : memref<1x10000x64xf32, #tpu.memory_space<hbm>> -> memref<10000x64xf32, #tpu.memory_space<hbm>>
    %dma_start3A_31 = arith.constant 0 : i32
    %dma_start3A_32 = arith.constant 0 : i32
    %dma_start3A_33 = tpu.memref_slice %dma_start3A_30[%dma_start3A_31, %dma_start3A_32] : memref<10000x64xf32, #tpu.memory_space<hbm>> -> memref<10000x64xf32, #tpu.memory_space<hbm>>
    tpu.enqueue_indirect_dma source(%dma_start3A_33 : memref<10000x64xf32, #tpu.memory_space<hbm>>) target(%dma_start3A_23 : memref<128x64xf32, #tpu.memory_space<vmem>>) offsets(%dma_start3A_26 : memref<128xi32, #tpu.memory_space<vmem>>) semaphore(%arg12 : memref<!tpu.dma_semaphore, #tpu.memory_space<semaphore_mem>>)
    %scan3A = arith.constant 0 : i32
    %scan3A_34 = arith.constant 0 : i32
    %scan3A_35 = arith.constant 79 : i32
    %scan3A_36 = arith.addi %scan3A_34, %scan3A_35 : i32
    %scan3A_37 = arith.constant 1 : i32
    scf.for %scan3A_44 = %scan3A_34 to %scan3A_36 step %scan3A_37  : i32 {
      %mul3A_45 = arith.constant 2 : i32
      %mul3A_46 = arith.muli %scan3A_44, %mul3A_45 : i32
      %add3A = arith.constant 0 : i32
      %add3A_47 = arith.addi %mul3A_46, %add3A : i32
      %dma_wait3A = arith.constant 0 : i32
      %dma_wait3A_48 = arith.constant 0 : i32
      %dma_wait3A_49 = arith.constant 0 : i32
      %dma_wait3A_50 = tpu.memref_slice %arg9[%dma_wait3A, %dma_wait3A_48, %dma_wait3A_49] : memref<2x128x64xf32, #tpu.memory_space<vmem>> -> memref<1x128x64xf32, #tpu.memory_space<vmem>>
      %dma_wait3A_51 = tpu.memref_squeeze %dma_wait3A_50 : memref<1x128x64xf32, #tpu.memory_space<vmem>> -> memref<128x64xf32, #tpu.memory_space<vmem>>
      %dma_wait3A_52 = arith.constant 0 : i32
      %dma_wait3A_53 = tpu.memref_slice %arg7[%add3A_47, %dma_wait3A_52] : memref<158x128xi32, #tpu.memory_space<vmem>> -> memref<1x128xi32, #tpu.memory_space<vmem>>
      %dma_wait3A_54 = tpu.memref_squeeze %dma_wait3A_53 : memref<1x128xi32, #tpu.memory_space<vmem>> -> memref<128xi32, #tpu.memory_space<vmem>>
      %dma_wait3A_55 = arith.constant 0 : i32
      %dma_wait3A_56 = arith.constant 0 : i32
      %dma_wait3A_57 = tpu.memref_slice %arg2[%arg0, %dma_wait3A_55, %dma_wait3A_56] : memref<2x10000x64xf32, #tpu.memory_space<hbm>> -> memref<1x10000x64xf32, #tpu.memory_space<hbm>>
      %dma_wait3A_58 = tpu.memref_squeeze %dma_wait3A_57 : memref<1x10000x64xf32, #tpu.memory_space<hbm>> -> memref<10000x64xf32, #tpu.memory_space<hbm>>
      %dma_wait3A_59 = arith.constant 0 : i32
      %dma_wait3A_60 = arith.constant 0 : i32
      %dma_wait3A_61 = tpu.memref_slice %dma_wait3A_58[%dma_wait3A_59, %dma_wait3A_60] : memref<10000x64xf32, #tpu.memory_space<hbm>> -> memref<10000x64xf32, #tpu.memory_space<hbm>>
      tpu.wait_indirect_dma semaphore(%arg11 : memref<!tpu.dma_semaphore, #tpu.memory_space<semaphore_mem>>) src(%dma_wait3A_61 : memref<10000x64xf32, #tpu.memory_space<hbm>>) dst(%dma_wait3A_51 : memref<128x64xf32, #tpu.memory_space<vmem>>)
      %run_scoped3A = arith.constant 0 : i32
      "tpu.region"() ({
        %run_scoped3A_91 = tpu.sem_alloc : memref<!tpu.dma_semaphore, #tpu.memory_space<semaphore_mem>>
        %dma_start3A_92 = arith.constant 0 : i32
        %dma_start3A_93 = arith.constant 0 : i32
        %dma_start3A_94 = tpu.memref_slice %arg9[%run_scoped3A, %dma_start3A_92, %dma_start3A_93] : memref<2x128x64xf32, #tpu.memory_space<vmem>> -> memref<1x128x64xf32, #tpu.memory_space<vmem>>
        %dma_start3A_95 = tpu.memref_squeeze %dma_start3A_94 : memref<1x128x64xf32, #tpu.memory_space<vmem>> -> memref<128x64xf32, #tpu.memory_space<vmem>>
        %dma_start3A_96 = arith.constant 0 : i32
        %dma_start3A_97 = tpu.memref_slice %arg8[%add3A_47, %dma_start3A_96] : memref<158x128xi32, #tpu.memory_space<vmem>> -> memref<1x128xi32, #tpu.memory_space<vmem>>
        %dma_start3A_98 = tpu.memref_squeeze %dma_start3A_97 : memref<1x128xi32, #tpu.memory_space<vmem>> -> memref<128xi32, #tpu.memory_space<vmem>>
        %dma_start3A_99 = arith.constant 0 : i32
        %dma_start3A_100 = arith.constant 0 : i32
        %dma_start3A_101 = tpu.memref_slice %arg10[%dma_start3A_99, %dma_start3A_100] : memref<10112x64xf32, #tpu.memory_space<vmem_shared>> -> memref<10112x64xf32, #tpu.memory_space<vmem_shared>>
        tpu.enqueue_indirect_dma source(%dma_start3A_95 : memref<128x64xf32, #tpu.memory_space<vmem>>) target(%dma_start3A_101 : memref<10112x64xf32, #tpu.memory_space<vmem_shared>>) offsets(%dma_start3A_98 : memref<128xi32, #tpu.memory_space<vmem>>) semaphore(%run_scoped3A_91 : memref<!tpu.dma_semaphore, #tpu.memory_space<semaphore_mem>>) {add = true}
        %dma_wait3A_102 = arith.constant 0 : i32
        %dma_wait3A_103 = arith.constant 0 : i32
        %dma_wait3A_104 = tpu.memref_slice %arg9[%run_scoped3A, %dma_wait3A_102, %dma_wait3A_103] : memref<2x128x64xf32, #tpu.memory_space<vmem>> -> memref<1x128x64xf32, #tpu.memory_space<vmem>>
        %dma_wait3A_105 = tpu.memref_squeeze %dma_wait3A_104 : memref<1x128x64xf32, #tpu.memory_space<vmem>> -> memref<128x64xf32, #tpu.memory_space<vmem>>
        %dma_wait3A_106 = arith.constant 0 : i32
        %dma_wait3A_107 = tpu.memref_slice %arg8[%add3A_47, %dma_wait3A_106] : memref<158x128xi32, #tpu.memory_space<vmem>> -> memref<1x128xi32, #tpu.memory_space<vmem>>
        %dma_wait3A_108 = tpu.memref_squeeze %dma_wait3A_107 : memref<1x128xi32, #tpu.memory_space<vmem>> -> memref<128xi32, #tpu.memory_space<vmem>>
        %dma_wait3A_109 = arith.constant 0 : i32
        %dma_wait3A_110 = arith.constant 0 : i32
        %dma_wait3A_111 = tpu.memref_slice %arg10[%dma_wait3A_109, %dma_wait3A_110] : memref<10112x64xf32, #tpu.memory_space<vmem_shared>> -> memref<10112x64xf32, #tpu.memory_space<vmem_shared>>
        tpu.wait_indirect_dma semaphore(%run_scoped3A_91 : memref<!tpu.dma_semaphore, #tpu.memory_space<semaphore_mem>>) src(%dma_wait3A_105 : memref<128x64xf32, #tpu.memory_space<vmem>>) dst(%dma_wait3A_111 : memref<10112x64xf32, #tpu.memory_space<vmem_shared>>)
        tpu.yield
      }) : () -> ()
      %add3A_62 = arith.constant 2 : i32
      %add3A_63 = arith.addi %add3A_47, %add3A_62 : i32
      %lt3A = arith.constant 158 : i32
      %lt3A_64 = arith.cmpi slt, %add3A_63, %lt3A : i32
      %convert_element_type3A = arith.extui %lt3A_64 : i1 to i32
      %cond3A = arith.constant 0 : i32
      %cond3A_65 = arith.cmpi ne, %convert_element_type3A, %cond3A : i32
      scf.if %cond3A_65 {
        %add3A_91 = arith.constant 2 : i32
        %add3A_92 = arith.addi %add3A_47, %add3A_91 : i32
        %dma_start3A_93 = arith.constant 0 : i32
        %dma_start3A_94 = arith.constant 0 : i32
        %dma_start3A_95 = arith.constant 0 : i32
        %dma_start3A_96 = tpu.memref_slice %arg9[%dma_start3A_93, %dma_start3A_94, %dma_start3A_95] : memref<2x128x64xf32, #tpu.memory_space<vmem>> -> memref<1x128x64xf32, #tpu.memory_space<vmem>>
        %dma_start3A_97 = tpu.memref_squeeze %dma_start3A_96 : memref<1x128x64xf32, #tpu.memory_space<vmem>> -> memref<128x64xf32, #tpu.memory_space<vmem>>
        %dma_start3A_98 = arith.constant 0 : i32
        %dma_start3A_99 = tpu.memref_slice %arg7[%add3A_92, %dma_start3A_98] : memref<158x128xi32, #tpu.memory_space<vmem>> -> memref<1x128xi32, #tpu.memory_space<vmem>>
        %dma_start3A_100 = tpu.memref_squeeze %dma_start3A_99 : memref<1x128xi32, #tpu.memory_space<vmem>> -> memref<128xi32, #tpu.memory_space<vmem>>
        %dma_start3A_101 = arith.constant 0 : i32
        %dma_start3A_102 = arith.constant 0 : i32
        %dma_start3A_103 = tpu.memref_slice %arg2[%arg0, %dma_start3A_101, %dma_start3A_102] : memref<2x10000x64xf32, #tpu.memory_space<hbm>> -> memref<1x10000x64xf32, #tpu.memory_space<hbm>>
        %dma_start3A_104 = tpu.memref_squeeze %dma_start3A_103 : memref<1x10000x64xf32, #tpu.memory_space<hbm>> -> memref<10000x64xf32, #tpu.memory_space<hbm>>
        %dma_start3A_105 = arith.constant 0 : i32
        %dma_start3A_106 = arith.constant 0 : i32
        %dma_start3A_107 = tpu.memref_slice %dma_start3A_104[%dma_start3A_105, %dma_start3A_106] : memref<10000x64xf32, #tpu.memory_space<hbm>> -> memref<10000x64xf32, #tpu.memory_space<hbm>>
        tpu.enqueue_indirect_dma source(%dma_start3A_107 : memref<10000x64xf32, #tpu.memory_space<hbm>>) target(%dma_start3A_97 : memref<128x64xf32, #tpu.memory_space<vmem>>) offsets(%dma_start3A_100 : memref<128xi32, #tpu.memory_space<vmem>>) semaphore(%arg11 : memref<!tpu.dma_semaphore, #tpu.memory_space<semaphore_mem>>)
      } else {
      }
      %add3A_66 = arith.constant 1 : i32
      %add3A_67 = arith.addi %mul3A_46, %add3A_66 : i32
      %dma_wait3A_68 = arith.constant 1 : i32
      %dma_wait3A_69 = arith.constant 0 : i32
      %dma_wait3A_70 = arith.constant 0 : i32
      %dma_wait3A_71 = tpu.memref_slice %arg9[%dma_wait3A_68, %dma_wait3A_69, %dma_wait3A_70] : memref<2x128x64xf32, #tpu.memory_space<vmem>> -> memref<1x128x64xf32, #tpu.memory_space<vmem>>
      %dma_wait3A_72 = tpu.memref_squeeze %dma_wait3A_71 : memref<1x128x64xf32, #tpu.memory_space<vmem>> -> memref<128x64xf32, #tpu.memory_space<vmem>>
      %dma_wait3A_73 = arith.constant 0 : i32
      %dma_wait3A_74 = tpu.memref_slice %arg7[%add3A_67, %dma_wait3A_73] : memref<158x128xi32, #tpu.memory_space<vmem>> -> memref<1x128xi32, #tpu.memory_space<vmem>>
      %dma_wait3A_75 = tpu.memref_squeeze %dma_wait3A_74 : memref<1x128xi32, #tpu.memory_space<vmem>> -> memref<128xi32, #tpu.memory_space<vmem>>
      %dma_wait3A_76 = arith.constant 0 : i32
      %dma_wait3A_77 = arith.constant 0 : i32
      %dma_wait3A_78 = tpu.memref_slice %arg2[%arg0, %dma_wait3A_76, %dma_wait3A_77] : memref<2x10000x64xf32, #tpu.memory_space<hbm>> -> memref<1x10000x64xf32, #tpu.memory_space<hbm>>
      %dma_wait3A_79 = tpu.memref_squeeze %dma_wait3A_78 : memref<1x10000x64xf32, #tpu.memory_space<hbm>> -> memref<10000x64xf32, #tpu.memory_space<hbm>>
      %dma_wait3A_80 = arith.constant 0 : i32
      %dma_wait3A_81 = arith.constant 0 : i32
      %dma_wait3A_82 = tpu.memref_slice %dma_wait3A_79[%dma_wait3A_80, %dma_wait3A_81] : memref<10000x64xf32, #tpu.memory_space<hbm>> -> memref<10000x64xf32, #tpu.memory_space<hbm>>
      tpu.wait_indirect_dma semaphore(%arg12 : memref<!tpu.dma_semaphore, #tpu.memory_space<semaphore_mem>>) src(%dma_wait3A_82 : memref<10000x64xf32, #tpu.memory_space<hbm>>) dst(%dma_wait3A_72 : memref<128x64xf32, #tpu.memory_space<vmem>>)
      %run_scoped3A_83 = arith.constant 1 : i32
      "tpu.region"() ({
        %run_scoped3A_91 = tpu.sem_alloc : memref<!tpu.dma_semaphore, #tpu.memory_space<semaphore_mem>>
        %dma_start3A_92 = arith.constant 0 : i32
        %dma_start3A_93 = arith.constant 0 : i32
        %dma_start3A_94 = tpu.memref_slice %arg9[%run_scoped3A_83, %dma_start3A_92, %dma_start3A_93] : memref<2x128x64xf32, #tpu.memory_space<vmem>> -> memref<1x128x64xf32, #tpu.memory_space<vmem>>
        %dma_start3A_95 = tpu.memref_squeeze %dma_start3A_94 : memref<1x128x64xf32, #tpu.memory_space<vmem>> -> memref<128x64xf32, #tpu.memory_space<vmem>>
        %dma_start3A_96 = arith.constant 0 : i32
        %dma_start3A_97 = tpu.memref_slice %arg8[%add3A_67, %dma_start3A_96] : memref<158x128xi32, #tpu.memory_space<vmem>> -> memref<1x128xi32, #tpu.memory_space<vmem>>
        %dma_start3A_98 = tpu.memref_squeeze %dma_start3A_97 : memref<1x128xi32, #tpu.memory_space<vmem>> -> memref<128xi32, #tpu.memory_space<vmem>>
        %dma_start3A_99 = arith.constant 0 : i32
        %dma_start3A_100 = arith.constant 0 : i32
        %dma_start3A_101 = tpu.memref_slice %arg10[%dma_start3A_99, %dma_start3A_100] : memref<10112x64xf32, #tpu.memory_space<vmem_shared>> -> memref<10112x64xf32, #tpu.memory_space<vmem_shared>>
        tpu.enqueue_indirect_dma source(%dma_start3A_95 : memref<128x64xf32, #tpu.memory_space<vmem>>) target(%dma_start3A_101 : memref<10112x64xf32, #tpu.memory_space<vmem_shared>>) offsets(%dma_start3A_98 : memref<128xi32, #tpu.memory_space<vmem>>) semaphore(%run_scoped3A_91 : memref<!tpu.dma_semaphore, #tpu.memory_space<semaphore_mem>>) {add = true}
        %dma_wait3A_102 = arith.constant 0 : i32
        %dma_wait3A_103 = arith.constant 0 : i32
        %dma_wait3A_104 = tpu.memref_slice %arg9[%run_scoped3A_83, %dma_wait3A_102, %dma_wait3A_103] : memref<2x128x64xf32, #tpu.memory_space<vmem>> -> memref<1x128x64xf32, #tpu.memory_space<vmem>>
        %dma_wait3A_105 = tpu.memref_squeeze %dma_wait3A_104 : memref<1x128x64xf32, #tpu.memory_space<vmem>> -> memref<128x64xf32, #tpu.memory_space<vmem>>
        %dma_wait3A_106 = arith.constant 0 : i32
        %dma_wait3A_107 = tpu.memref_slice %arg8[%add3A_67, %dma_wait3A_106] : memref<158x128xi32, #tpu.memory_space<vmem>> -> memref<1x128xi32, #tpu.memory_space<vmem>>
        %dma_wait3A_108 = tpu.memref_squeeze %dma_wait3A_107 : memref<1x128xi32, #tpu.memory_space<vmem>> -> memref<128xi32, #tpu.memory_space<vmem>>
        %dma_wait3A_109 = arith.constant 0 : i32
        %dma_wait3A_110 = arith.constant 0 : i32
        %dma_wait3A_111 = tpu.memref_slice %arg10[%dma_wait3A_109, %dma_wait3A_110] : memref<10112x64xf32, #tpu.memory_space<vmem_shared>> -> memref<10112x64xf32, #tpu.memory_space<vmem_shared>>
        tpu.wait_indirect_dma semaphore(%run_scoped3A_91 : memref<!tpu.dma_semaphore, #tpu.memory_space<semaphore_mem>>) src(%dma_wait3A_105 : memref<128x64xf32, #tpu.memory_space<vmem>>) dst(%dma_wait3A_111 : memref<10112x64xf32, #tpu.memory_space<vmem_shared>>)
        tpu.yield
      }) : () -> ()
      %add3A_84 = arith.constant 2 : i32
      %add3A_85 = arith.addi %add3A_67, %add3A_84 : i32
      %lt3A_86 = arith.constant 158 : i32
      %lt3A_87 = arith.cmpi slt, %add3A_85, %lt3A_86 : i32
      %convert_element_type3A_88 = arith.extui %lt3A_87 : i1 to i32
      %cond3A_89 = arith.constant 0 : i32
      %cond3A_90 = arith.cmpi ne, %convert_element_type3A_88, %cond3A_89 : i32
      scf.if %cond3A_90 {
        %add3A_91 = arith.constant 2 : i32
        %add3A_92 = arith.addi %add3A_67, %add3A_91 : i32
        %dma_start3A_93 = arith.constant 1 : i32
        %dma_start3A_94 = arith.constant 0 : i32
        %dma_start3A_95 = arith.constant 0 : i32
        %dma_start3A_96 = tpu.memref_slice %arg9[%dma_start3A_93, %dma_start3A_94, %dma_start3A_95] : memref<2x128x64xf32, #tpu.memory_space<vmem>> -> memref<1x128x64xf32, #tpu.memory_space<vmem>>
        %dma_start3A_97 = tpu.memref_squeeze %dma_start3A_96 : memref<1x128x64xf32, #tpu.memory_space<vmem>> -> memref<128x64xf32, #tpu.memory_space<vmem>>
        %dma_start3A_98 = arith.constant 0 : i32
        %dma_start3A_99 = tpu.memref_slice %arg7[%add3A_92, %dma_start3A_98] : memref<158x128xi32, #tpu.memory_space<vmem>> -> memref<1x128xi32, #tpu.memory_space<vmem>>
        %dma_start3A_100 = tpu.memref_squeeze %dma_start3A_99 : memref<1x128xi32, #tpu.memory_space<vmem>> -> memref<128xi32, #tpu.memory_space<vmem>>
        %dma_start3A_101 = arith.constant 0 : i32
        %dma_start3A_102 = arith.constant 0 : i32
        %dma_start3A_103 = tpu.memref_slice %arg2[%arg0, %dma_start3A_101, %dma_start3A_102] : memref<2x10000x64xf32, #tpu.memory_space<hbm>> -> memref<1x10000x64xf32, #tpu.memory_space<hbm>>
        %dma_start3A_104 = tpu.memref_squeeze %dma_start3A_103 : memref<1x10000x64xf32, #tpu.memory_space<hbm>> -> memref<10000x64xf32, #tpu.memory_space<hbm>>
        %dma_start3A_105 = arith.constant 0 : i32
        %dma_start3A_106 = arith.constant 0 : i32
        %dma_start3A_107 = tpu.memref_slice %dma_start3A_104[%dma_start3A_105, %dma_start3A_106] : memref<10000x64xf32, #tpu.memory_space<hbm>> -> memref<10000x64xf32, #tpu.memory_space<hbm>>
        tpu.enqueue_indirect_dma source(%dma_start3A_107 : memref<10000x64xf32, #tpu.memory_space<hbm>>) target(%dma_start3A_97 : memref<128x64xf32, #tpu.memory_space<vmem>>) offsets(%dma_start3A_100 : memref<128xi32, #tpu.memory_space<vmem>>) semaphore(%arg12 : memref<!tpu.dma_semaphore, #tpu.memory_space<semaphore_mem>>)
      } else {
      }
    }
    %scan3A_38 = arith.constant 79 : i32
    %barrier3A_39 = arith.constant 0 : index
    tpu.barrier barrier_id(%barrier3A_39)
    %mul3A_40 = arith.constant 632 : i32
    %mul3A_41 = arith.muli %arg1, %mul3A_40 : i32
    %mul3A_42 = arith.constant 632 : i32
    %mul3A_43 = arith.muli %arg1, %mul3A_42 : i32
    "tpu.region"() ({
      %run_scoped3A = tpu.sem_alloc : memref<!tpu.dma_semaphore, #tpu.memory_space<semaphore_mem>>
      %dma_start3A_44 = tpu.memref_slice %arg6[%mul3A_43, %mul3A_0] : memref<10112x128xf32, #tpu.memory_space<hbm>> -> memref<632x64xf32, #tpu.memory_space<hbm>>
      %dma_start3A_45 = arith.constant 0 : i32
      %dma_start3A_46 = tpu.memref_slice %arg10[%mul3A_41, %dma_start3A_45] : memref<10112x64xf32, #tpu.memory_space<vmem_shared>> -> memref<632x64xf32, #tpu.memory_space<vmem_shared>>
      tpu.enqueue_dma source(%dma_start3A_46 : memref<632x64xf32, #tpu.memory_space<vmem_shared>>) target(%dma_start3A_44 : memref<632x64xf32, #tpu.memory_space<hbm>>) target_semaphore(%run_scoped3A : memref<!tpu.dma_semaphore, #tpu.memory_space<semaphore_mem>>)
      %dma_wait3A = tpu.memref_slice %arg6[%mul3A_43, %mul3A_0] : memref<10112x128xf32, #tpu.memory_space<hbm>> -> memref<632x64xf32, #tpu.memory_space<hbm>>
      %dma_wait3A_47 = arith.constant 0 : i32
      %dma_wait3A_48 = tpu.memref_slice %arg10[%mul3A_41, %dma_wait3A_47] : memref<10112x64xf32, #tpu.memory_space<vmem_shared>> -> memref<632x64xf32, #tpu.memory_space<vmem_shared>>
      tpu.wait_dma2 semaphore(%run_scoped3A : memref<!tpu.dma_semaphore, #tpu.memory_space<semaphore_mem>>) src(%dma_wait3A_48 : memref<632x64xf32, #tpu.memory_space<vmem_shared>>) dst(%dma_wait3A : memref<632x64xf32, #tpu.memory_space<hbm>>)
      tpu.yield
    }) : () -> ()
    return
  }
}

module attributes {stable_mosaic.version = 14 : i64} {
  func.func @_stage1_body(%arg0: i32, %arg1: memref<5000x128xf32, #tpu.memory_space<vmem>>, %arg2: memref<5000x128xf32, #tpu.memory_space<vmem>>, %arg3: memref<128x128xf32, #tpu.memory_space<vmem>>, %arg4: memref<1x128xf32, #tpu.memory_space<vmem>>, %arg5: memref<1x128xf32, #tpu.memory_space<vmem>>, %arg6: memref<5000x128xf32, #tpu.memory_space<vmem>>, %arg7: memref<8x128xf32, #tpu.memory_space<vmem>>) attributes {dimension_semantics = [#tpu.dimension_semantics<arbitrary>], iteration_bounds = array<i64: 2>, scalar_prefetch = 0 : i64, scratch_operands = 0 : i64, tpu.core_type = #tpu.core_type<tc>, window_params = [{transform_indices = @transform_0, window_bounds = array<i64: 5000, 128>}, {transform_indices = @transform_1, window_bounds = array<i64: 5000, 128>}, {pipeline_mode = #tpu.pipeline_mode<synchronous>, transform_indices = @transform_2, window_bounds = array<i64: 128, 128>}, {pipeline_mode = #tpu.pipeline_mode<synchronous>, transform_indices = @transform_3, window_bounds = array<i64: 1, 128>}, {pipeline_mode = #tpu.pipeline_mode<synchronous>, transform_indices = @transform_4, window_bounds = array<i64: 1, 128>}, {transform_indices = @transform_5, window_bounds = array<i64: 5000, 128>}, {pipeline_mode = #tpu.pipeline_mode<synchronous>, transform_indices = @transform_6, window_bounds = array<i64: 8, 128>}]} {
    %get3A = arith.constant 0 : index
    %get3A_0 = arith.constant 0 : index
    %get3A_1 = vector.load %arg1[%get3A, %get3A_0] : memref<5000x128xf32, #tpu.memory_space<vmem>>, vector<5000x128xf32>
    %mul3A = arith.mulf %get3A_1, %get3A_1 : vector<5000x128xf32>
    %reduce_sum3A = arith.constant dense<0.000000e+00> : vector<5000xf32>
    %reduce_sum3A_2 = vector.multi_reduction <add>, %mul3A, %reduce_sum3A [1] : vector<5000x128xf32> to vector<5000xf32>
    %broadcast_in_dim3A = vector.shape_cast %reduce_sum3A_2 : vector<5000xf32> to vector<5000x1xf32>
    %sqrt3A = math.sqrt %broadcast_in_dim3A : vector<5000x1xf32>
    %max3A = arith.constant 9.99999996E-13 : f32
    %max3A_3 = vector.broadcast %max3A : f32 to vector<5000x1xf32>
    %max3A_4 = arith.maximumf %sqrt3A, %max3A_3 : vector<5000x1xf32>
    %div3A = vector.broadcast %max3A_4 : vector<5000x1xf32> to vector<5000x128xf32>
    %div3A_5 = arith.divf %get3A_1, %div3A : vector<5000x128xf32>
    %get3A_6 = arith.constant 0 : index
    %get3A_7 = arith.constant 0 : index
    %get3A_8 = vector.load %arg2[%get3A_6, %get3A_7] : memref<5000x128xf32, #tpu.memory_space<vmem>>, vector<5000x128xf32>
    %mul3A_9 = arith.mulf %get3A_8, %get3A_8 : vector<5000x128xf32>
    %reduce_sum3A_10 = arith.constant dense<0.000000e+00> : vector<5000xf32>
    %reduce_sum3A_11 = vector.multi_reduction <add>, %mul3A_9, %reduce_sum3A_10 [1] : vector<5000x128xf32> to vector<5000xf32>
    %broadcast_in_dim3A_12 = vector.shape_cast %reduce_sum3A_11 : vector<5000xf32> to vector<5000x1xf32>
    %sqrt3A_13 = math.sqrt %broadcast_in_dim3A_12 : vector<5000x1xf32>
    %max3A_14 = arith.constant 9.99999996E-13 : f32
    %max3A_15 = vector.broadcast %max3A_14 : f32 to vector<5000x1xf32>
    %max3A_16 = arith.maximumf %sqrt3A_13, %max3A_15 : vector<5000x1xf32>
    %div3A_17 = vector.broadcast %max3A_16 : vector<5000x1xf32> to vector<5000x128xf32>
    %div3A_18 = arith.divf %get3A_8, %div3A_17 : vector<5000x128xf32>
    %get3A_19 = arith.constant 0 : index
    %get3A_20 = arith.constant 0 : index
    %get3A_21 = vector.load %arg5[%get3A_19, %get3A_20] : memref<1x128xf32, #tpu.memory_space<vmem>>, vector<1x128xf32>
    %mul3A_22 = vector.broadcast %get3A_21 : vector<1x128xf32> to vector<5000x128xf32>
    %mul3A_23 = arith.mulf %mul3A_22, %div3A_18 : vector<5000x128xf32>
    %add3A = arith.addf %div3A_5, %mul3A_23 : vector<5000x128xf32>
    %get3A_24 = arith.constant 0 : index
    %get3A_25 = arith.constant 0 : index
    %get3A_26 = vector.load %arg3[%get3A_24, %get3A_25] : memref<128x128xf32, #tpu.memory_space<vmem>>, vector<128x128xf32>
    %dot_general3A = arith.constant dense<0.000000e+00> : vector<5000x128xf32>
    %dot_general3A_27 = tpu.matmul %add3A, %get3A_26, %dot_general3A {dimension_numbers = #tpu.dot_dimension_numbers<[1], [0], [0], [1], [0, 0, 1, 1], [], []>, transpose_lhs_hint = false} : vector<5000x128xf32>, vector<128x128xf32>, vector<5000x128xf32> -> vector<5000x128xf32>
    %get3A_28 = arith.constant 0 : index
    %get3A_29 = arith.constant 0 : index
    %get3A_30 = vector.load %arg4[%get3A_28, %get3A_29] : memref<1x128xf32, #tpu.memory_space<vmem>>, vector<1x128xf32>
    %add3A_31 = vector.broadcast %get3A_30 : vector<1x128xf32> to vector<5000x128xf32>
    %add3A_32 = arith.addf %dot_general3A_27, %add3A_31 : vector<5000x128xf32>
    %swap3A = arith.constant 0 : index
    %swap3A_33 = arith.constant 0 : index
    %swap3A_34 = vector.load %arg6[%swap3A, %swap3A_33] : memref<5000x128xf32, #tpu.memory_space<vmem>>, vector<5000x128xf32>
    tpu.vector_store %arg6[%swap3A, %swap3A_33], %add3A_32 {strides = array<i32>} : memref<5000x128xf32, #tpu.memory_space<vmem>>, vector<5000x128xf32>,
    %eq3A = arith.constant 0 : i32
    %eq3A_35 = arith.cmpi eq, %arg0, %eq3A : i32
    %convert_element_type3A = arith.extui %eq3A_35 : i1 to i32
    %cond3A = arith.constant 0 : i32
    %cond3A_36 = arith.cmpi ne, %convert_element_type3A, %cond3A : i32
    scf.if %cond3A_36 {
      %broadcast_in_dim3A_58 = arith.constant 0.000000e+00 : f32
      %broadcast_in_dim3A_59 = vector.broadcast %broadcast_in_dim3A_58 : f32 to vector<8x128xf32>
      %swap3A_60 = arith.constant 0 : index
      %swap3A_61 = arith.constant 0 : index
      %swap3A_62 = vector.load %arg7[%swap3A_60, %swap3A_61] : memref<8x128xf32, #tpu.memory_space<vmem>>, vector<8x128xf32>
      tpu.vector_store %arg7[%swap3A_60, %swap3A_61], %broadcast_in_dim3A_59 {strides = array<i32>} : memref<8x128xf32, #tpu.memory_space<vmem>>, vector<8x128xf32>,
    } else {
    }
    %get3A_37 = arith.constant 0 : index
    %get3A_38 = arith.constant 0 : index
    %get3A_39 = vector.load %arg7[%get3A_37, %get3A_38] : memref<8x128xf32, #tpu.memory_space<vmem>>, vector<1x128xf32>
    %reduce_sum3A_40 = arith.constant dense<0.000000e+00> : vector<128xf32>
    %reduce_sum3A_41 = vector.multi_reduction <add>, %add3A_32, %reduce_sum3A_40 [0] : vector<5000x128xf32> to vector<128xf32>
    %broadcast_in_dim3A_42 = vector.shape_cast %reduce_sum3A_41 : vector<128xf32> to vector<1x128xf32>
    %add3A_43 = arith.addf %get3A_39, %broadcast_in_dim3A_42 : vector<1x128xf32>
    %swap3A_44 = arith.constant 0 : index
    %swap3A_45 = arith.constant 0 : index
    %swap3A_46 = vector.load %arg7[%swap3A_44, %swap3A_45] : memref<8x128xf32, #tpu.memory_space<vmem>>, vector<1x128xf32>
    tpu.vector_store %arg7[%swap3A_44, %swap3A_45], %add3A_43 {strides = array<i32>} : memref<8x128xf32, #tpu.memory_space<vmem>>, vector<1x128xf32>,
    %get3A_47 = arith.constant 1 : index
    %get3A_48 = arith.constant 0 : index
    %get3A_49 = vector.load %arg7[%get3A_47, %get3A_48] : memref<8x128xf32, #tpu.memory_space<vmem>>, vector<1x128xf32>
    %mul3A_50 = arith.mulf %add3A_32, %add3A_32 : vector<5000x128xf32>
    %reduce_sum3A_51 = arith.constant dense<0.000000e+00> : vector<128xf32>
    %reduce_sum3A_52 = vector.multi_reduction <add>, %mul3A_50, %reduce_sum3A_51 [0] : vector<5000x128xf32> to vector<128xf32>
    %broadcast_in_dim3A_53 = vector.shape_cast %reduce_sum3A_52 : vector<128xf32> to vector<1x128xf32>
    %add3A_54 = arith.addf %get3A_49, %broadcast_in_dim3A_53 : vector<1x128xf32>
    %swap3A_55 = arith.constant 1 : index
    %swap3A_56 = arith.constant 0 : index
    %swap3A_57 = vector.load %arg7[%swap3A_55, %swap3A_56] : memref<8x128xf32, #tpu.memory_space<vmem>>, vector<1x128xf32>
    tpu.vector_store %arg7[%swap3A_55, %swap3A_56], %add3A_54 {strides = array<i32>} : memref<8x128xf32, #tpu.memory_space<vmem>>, vector<1x128xf32>,
    return
  }
  func.func @transform_0(%arg0: i32) -> (i32, i32) {
    %c0_i32 = arith.constant 0 : i32
    %c0_i32_0 = arith.constant 0 : i32
    return %arg0, %c0_i32 : i32, i32
  }
  func.func @transform_1(%arg0: i32) -> (i32, i32) {
    %c0_i32 = arith.constant 0 : i32
    %c0_i32_0 = arith.constant 0 : i32
    return %arg0, %c0_i32 : i32, i32
  }
  func.func @transform_2(%arg0: i32) -> (i32, i32) {
    %c0_i32 = arith.constant 0 : i32
    %c0_i32_0 = arith.constant 0 : i32
    %c0_i32_1 = arith.constant 0 : i32
    return %c0_i32, %c0_i32_0 : i32, i32
  }
  func.func @transform_3(%arg0: i32) -> (i32, i32) {
    %c0_i32 = arith.constant 0 : i32
    %c0_i32_0 = arith.constant 0 : i32
    %c0_i32_1 = arith.constant 0 : i32
    return %c0_i32, %c0_i32_0 : i32, i32
  }
  func.func @transform_4(%arg0: i32) -> (i32, i32) {
    %c0_i32 = arith.constant 0 : i32
    %c0_i32_0 = arith.constant 0 : i32
    %c0_i32_1 = arith.constant 0 : i32
    return %c0_i32, %c0_i32_0 : i32, i32
  }
  func.func @transform_5(%arg0: i32) -> (i32, i32) {
    %c0_i32 = arith.constant 0 : i32
    %c0_i32_0 = arith.constant 0 : i32
    return %arg0, %c0_i32 : i32, i32
  }
  func.func @transform_6(%arg0: i32) -> (i32, i32) {
    %c0_i32 = arith.constant 0 : i32
    %c0_i32_0 = arith.constant 0 : i32
    %c0_i32_1 = arith.constant 0 : i32
    return %c0_i32, %c0_i32_0 : i32, i32
  }
}

module attributes {stable_mosaic.version = 14 : i64} {
  func.func @_stage2_body(%arg0: i32, %arg1: memref<5000x128xf32, #tpu.memory_space<vmem>>, %arg2: memref<8x128xf32, #tpu.memory_space<vmem>>, %arg3: memref<1x128xf32, #tpu.memory_space<vmem>>, %arg4: memref<1x128xf32, #tpu.memory_space<vmem>>, %arg5: memref<128x128xf32, #tpu.memory_space<vmem>>, %arg6: memref<1x128xf32, #tpu.memory_space<vmem>>, %arg7: memref<5000x128xf32, #tpu.memory_space<vmem>>) attributes {dimension_semantics = [#tpu.dimension_semantics<arbitrary>], iteration_bounds = array<i64: 2>, scalar_prefetch = 0 : i64, scratch_operands = 0 : i64, tpu.core_type = #tpu.core_type<tc>, window_params = [{transform_indices = @transform_0, window_bounds = array<i64: 5000, 128>}, {pipeline_mode = #tpu.pipeline_mode<synchronous>, transform_indices = @transform_1, window_bounds = array<i64: 8, 128>}, {pipeline_mode = #tpu.pipeline_mode<synchronous>, transform_indices = @transform_2, window_bounds = array<i64: 1, 128>}, {pipeline_mode = #tpu.pipeline_mode<synchronous>, transform_indices = @transform_3, window_bounds = array<i64: 1, 128>}, {pipeline_mode = #tpu.pipeline_mode<synchronous>, transform_indices = @transform_4, window_bounds = array<i64: 128, 128>}, {pipeline_mode = #tpu.pipeline_mode<synchronous>, transform_indices = @transform_5, window_bounds = array<i64: 1, 128>}, {transform_indices = @transform_6, window_bounds = array<i64: 5000, 128>}]} {
    %get3A = arith.constant 0 : index
    %get3A_0 = arith.constant 0 : index
    %get3A_1 = vector.load %arg2[%get3A, %get3A_0] : memref<8x128xf32, #tpu.memory_space<vmem>>, vector<1x128xf32>
    %div3A = arith.constant 1.000000e+04 : f32
    %div3A_2 = vector.broadcast %div3A : f32 to vector<1x128xf32>
    %div3A_3 = arith.divf %get3A_1, %div3A_2 : vector<1x128xf32>
    %get3A_4 = arith.constant 1 : index
    %get3A_5 = arith.constant 0 : index
    %get3A_6 = vector.load %arg2[%get3A_4, %get3A_5] : memref<8x128xf32, #tpu.memory_space<vmem>>, vector<1x128xf32>
    %div3A_7 = arith.constant 1.000000e+04 : f32
    %div3A_8 = vector.broadcast %div3A_7 : f32 to vector<1x128xf32>
    %div3A_9 = arith.divf %get3A_6, %div3A_8 : vector<1x128xf32>
    %mul3A = arith.mulf %div3A_3, %div3A_3 : vector<1x128xf32>
    %sub3A = arith.subf %div3A_9, %mul3A : vector<1x128xf32>
    %get3A_10 = arith.constant 0 : index
    %get3A_11 = arith.constant 0 : index
    %get3A_12 = vector.load %arg3[%get3A_10, %get3A_11] : memref<1x128xf32, #tpu.memory_space<vmem>>, vector<1x128xf32>
    %add3A = arith.constant 9.99999974E-6 : f32
    %add3A_13 = vector.broadcast %add3A : f32 to vector<1x128xf32>
    %add3A_14 = arith.addf %sub3A, %add3A_13 : vector<1x128xf32>
    %sqrt3A = math.sqrt %add3A_14 : vector<1x128xf32>
    %div3A_15 = arith.divf %get3A_12, %sqrt3A : vector<1x128xf32>
    %get3A_16 = arith.constant 0 : index
    %get3A_17 = arith.constant 0 : index
    %get3A_18 = vector.load %arg1[%get3A_16, %get3A_17] : memref<5000x128xf32, #tpu.memory_space<vmem>>, vector<5000x128xf32>
    %sub3A_19 = vector.broadcast %div3A_3 : vector<1x128xf32> to vector<5000x128xf32>
    %sub3A_20 = arith.subf %get3A_18, %sub3A_19 : vector<5000x128xf32>
    %mul3A_21 = vector.broadcast %div3A_15 : vector<1x128xf32> to vector<5000x128xf32>
    %mul3A_22 = arith.mulf %sub3A_20, %mul3A_21 : vector<5000x128xf32>
    %get3A_23 = arith.constant 0 : index
    %get3A_24 = arith.constant 0 : index
    %get3A_25 = vector.load %arg4[%get3A_23, %get3A_24] : memref<1x128xf32, #tpu.memory_space<vmem>>, vector<1x128xf32>
    %add3A_26 = vector.broadcast %get3A_25 : vector<1x128xf32> to vector<5000x128xf32>
    %add3A_27 = arith.addf %mul3A_22, %add3A_26 : vector<5000x128xf32>
    %max3A = arith.constant 0.000000e+00 : f32
    %max3A_28 = vector.broadcast %max3A : f32 to vector<5000x128xf32>
    %max3A_29 = arith.maximumf %add3A_27, %max3A_28 : vector<5000x128xf32>
    %get3A_30 = arith.constant 0 : index
    %get3A_31 = arith.constant 0 : index
    %get3A_32 = vector.load %arg5[%get3A_30, %get3A_31] : memref<128x128xf32, #tpu.memory_space<vmem>>, vector<128x128xf32>
    %dot_general3A = arith.constant dense<0.000000e+00> : vector<5000x128xf32>
    %dot_general3A_33 = tpu.matmul %max3A_29, %get3A_32, %dot_general3A {dimension_numbers = #tpu.dot_dimension_numbers<[1], [0], [0], [1], [0, 0, 1, 1], [], []>, transpose_lhs_hint = false} : vector<5000x128xf32>, vector<128x128xf32>, vector<5000x128xf32> -> vector<5000x128xf32>
    %get3A_34 = arith.constant 0 : index
    %get3A_35 = arith.constant 0 : index
    %get3A_36 = vector.load %arg6[%get3A_34, %get3A_35] : memref<1x128xf32, #tpu.memory_space<vmem>>, vector<1x128xf32>
    %add3A_37 = vector.broadcast %get3A_36 : vector<1x128xf32> to vector<5000x128xf32>
    %add3A_38 = arith.addf %dot_general3A_33, %add3A_37 : vector<5000x128xf32>
    %max3A_39 = arith.constant 0.000000e+00 : f32
    %max3A_40 = vector.broadcast %max3A_39 : f32 to vector<5000x128xf32>
    %max3A_41 = arith.maximumf %add3A_38, %max3A_40 : vector<5000x128xf32>
    %swap3A = arith.constant 0 : index
    %swap3A_42 = arith.constant 0 : index
    %swap3A_43 = vector.load %arg7[%swap3A, %swap3A_42] : memref<5000x128xf32, #tpu.memory_space<vmem>>, vector<5000x128xf32>
    tpu.vector_store %arg7[%swap3A, %swap3A_42], %max3A_41 {strides = array<i32>} : memref<5000x128xf32, #tpu.memory_space<vmem>>, vector<5000x128xf32>,
    return
  }
  func.func @transform_0(%arg0: i32) -> (i32, i32) {
    %c0_i32 = arith.constant 0 : i32
    %c0_i32_0 = arith.constant 0 : i32
    return %arg0, %c0_i32 : i32, i32
  }
  func.func @transform_1(%arg0: i32) -> (i32, i32) {
    %c0_i32 = arith.constant 0 : i32
    %c0_i32_0 = arith.constant 0 : i32
    %c0_i32_1 = arith.constant 0 : i32
    return %c0_i32, %c0_i32_0 : i32, i32
  }
  func.func @transform_2(%arg0: i32) -> (i32, i32) {
    %c0_i32 = arith.constant 0 : i32
    %c0_i32_0 = arith.constant 0 : i32
    %c0_i32_1 = arith.constant 0 : i32
    return %c0_i32, %c0_i32_0 : i32, i32
  }
  func.func @transform_3(%arg0: i32) -> (i32, i32) {
    %c0_i32 = arith.constant 0 : i32
    %c0_i32_0 = arith.constant 0 : i32
    %c0_i32_1 = arith.constant 0 : i32
    return %c0_i32, %c0_i32_0 : i32, i32
  }
  func.func @transform_4(%arg0: i32) -> (i32, i32) {
    %c0_i32 = arith.constant 0 : i32
    %c0_i32_0 = arith.constant 0 : i32
    %c0_i32_1 = arith.constant 0 : i32
    return %c0_i32, %c0_i32_0 : i32, i32
  }
  func.func @transform_5(%arg0: i32) -> (i32, i32) {
    %c0_i32 = arith.constant 0 : i32
    %c0_i32_0 = arith.constant 0 : i32
    %c0_i32_1 = arith.constant 0 : i32
    return %c0_i32, %c0_i32_0 : i32, i32
  }
  func.func @transform_6(%arg0: i32) -> (i32, i32) {
    %c0_i32 = arith.constant 0 : i32
    %c0_i32_0 = arith.constant 0 : i32
    return %arg0, %c0_i32 : i32, i32
  }
}

module attributes {stable_mosaic.version = 14 : i64} {
  func.func @_stage2_body(%arg0: i32, %arg1: memref<5000x128xf32, #tpu.memory_space<vmem>>, %arg2: memref<8x128xf32, #tpu.memory_space<vmem>>, %arg3: memref<1x128xf32, #tpu.memory_space<vmem>>, %arg4: memref<1x128xf32, #tpu.memory_space<vmem>>, %arg5: memref<128x128xf32, #tpu.memory_space<vmem>>, %arg6: memref<1x128xf32, #tpu.memory_space<vmem>>, %arg7: memref<5000x128xf32, #tpu.memory_space<vmem>>) attributes {dimension_semantics = [#tpu.dimension_semantics<arbitrary>], iteration_bounds = array<i64: 2>, scalar_prefetch = 0 : i64, scratch_operands = 0 : i64, tpu.core_type = #tpu.core_type<tc>, window_params = [{transform_indices = @transform_0, window_bounds = array<i64: 5000, 128>}, {pipeline_mode = #tpu.pipeline_mode<synchronous>, transform_indices = @transform_1, window_bounds = array<i64: 8, 128>}, {pipeline_mode = #tpu.pipeline_mode<synchronous>, transform_indices = @transform_2, window_bounds = array<i64: 1, 128>}, {pipeline_mode = #tpu.pipeline_mode<synchronous>, transform_indices = @transform_3, window_bounds = array<i64: 1, 128>}, {pipeline_mode = #tpu.pipeline_mode<synchronous>, transform_indices = @transform_4, window_bounds = array<i64: 128, 128>}, {pipeline_mode = #tpu.pipeline_mode<synchronous>, transform_indices = @transform_5, window_bounds = array<i64: 1, 128>}, {transform_indices = @transform_6, window_bounds = array<i64: 5000, 128>}]} {
    %get3A = arith.constant 0 : index
    %get3A_0 = arith.constant 0 : index
    %get3A_1 = vector.load %arg2[%get3A, %get3A_0] : memref<8x128xf32, #tpu.memory_space<vmem>>, vector<1x128xf32>
    %div3A = arith.constant 1.000000e+04 : f32
    %div3A_2 = vector.broadcast %div3A : f32 to vector<1x128xf32>
    %div3A_3 = arith.divf %get3A_1, %div3A_2 : vector<1x128xf32>
    %get3A_4 = arith.constant 1 : index
    %get3A_5 = arith.constant 0 : index
    %get3A_6 = vector.load %arg2[%get3A_4, %get3A_5] : memref<8x128xf32, #tpu.memory_space<vmem>>, vector<1x128xf32>
    %div3A_7 = arith.constant 1.000000e+04 : f32
    %div3A_8 = vector.broadcast %div3A_7 : f32 to vector<1x128xf32>
    %div3A_9 = arith.divf %get3A_6, %div3A_8 : vector<1x128xf32>
    %mul3A = arith.mulf %div3A_3, %div3A_3 : vector<1x128xf32>
    %sub3A = arith.subf %div3A_9, %mul3A : vector<1x128xf32>
    %get3A_10 = arith.constant 0 : index
    %get3A_11 = arith.constant 0 : index
    %get3A_12 = vector.load %arg3[%get3A_10, %get3A_11] : memref<1x128xf32, #tpu.memory_space<vmem>>, vector<1x128xf32>
    %add3A = arith.constant 9.99999974E-6 : f32
    %add3A_13 = vector.broadcast %add3A : f32 to vector<1x128xf32>
    %add3A_14 = arith.addf %sub3A, %add3A_13 : vector<1x128xf32>
    %sqrt3A = math.sqrt %add3A_14 : vector<1x128xf32>
    %div3A_15 = arith.divf %get3A_12, %sqrt3A : vector<1x128xf32>
    %get3A_16 = arith.constant 0 : index
    %get3A_17 = arith.constant 0 : index
    %get3A_18 = vector.load %arg1[%get3A_16, %get3A_17] : memref<5000x128xf32, #tpu.memory_space<vmem>>, vector<5000x128xf32>
    %sub3A_19 = vector.broadcast %div3A_3 : vector<1x128xf32> to vector<5000x128xf32>
    %sub3A_20 = arith.subf %get3A_18, %sub3A_19 : vector<5000x128xf32>
    %mul3A_21 = vector.broadcast %div3A_15 : vector<1x128xf32> to vector<5000x128xf32>
    %mul3A_22 = arith.mulf %sub3A_20, %mul3A_21 : vector<5000x128xf32>
    %get3A_23 = arith.constant 0 : index
    %get3A_24 = arith.constant 0 : index
    %get3A_25 = vector.load %arg4[%get3A_23, %get3A_24] : memref<1x128xf32, #tpu.memory_space<vmem>>, vector<1x128xf32>
    %add3A_26 = vector.broadcast %get3A_25 : vector<1x128xf32> to vector<5000x128xf32>
    %add3A_27 = arith.addf %mul3A_22, %add3A_26 : vector<5000x128xf32>
    %max3A = arith.constant 0.000000e+00 : f32
    %max3A_28 = vector.broadcast %max3A : f32 to vector<5000x128xf32>
    %max3A_29 = arith.maximumf %add3A_27, %max3A_28 : vector<5000x128xf32>
    %get3A_30 = arith.constant 0 : index
    %get3A_31 = arith.constant 0 : index
    %get3A_32 = vector.load %arg5[%get3A_30, %get3A_31] : memref<128x128xf32, #tpu.memory_space<vmem>>, vector<128x128xf32>
    %dot_general3A = arith.constant dense<0.000000e+00> : vector<5000x128xf32>
    %dot_general3A_33 = tpu.matmul %max3A_29, %get3A_32, %dot_general3A {dimension_numbers = #tpu.dot_dimension_numbers<[1], [0], [0], [1], [0, 0, 1, 1], [], []>, transpose_lhs_hint = false} : vector<5000x128xf32>, vector<128x128xf32>, vector<5000x128xf32> -> vector<5000x128xf32>
    %get3A_34 = arith.constant 0 : index
    %get3A_35 = arith.constant 0 : index
    %get3A_36 = vector.load %arg6[%get3A_34, %get3A_35] : memref<1x128xf32, #tpu.memory_space<vmem>>, vector<1x128xf32>
    %add3A_37 = vector.broadcast %get3A_36 : vector<1x128xf32> to vector<5000x128xf32>
    %add3A_38 = arith.addf %dot_general3A_33, %add3A_37 : vector<5000x128xf32>
    %swap3A = arith.constant 0 : index
    %swap3A_39 = arith.constant 0 : index
    %swap3A_40 = vector.load %arg7[%swap3A, %swap3A_39] : memref<5000x128xf32, #tpu.memory_space<vmem>>, vector<5000x128xf32>
    tpu.vector_store %arg7[%swap3A, %swap3A_39], %add3A_38 {strides = array<i32>} : memref<5000x128xf32, #tpu.memory_space<vmem>>, vector<5000x128xf32>,
    return
  }
  func.func @transform_0(%arg0: i32) -> (i32, i32) {
    %c0_i32 = arith.constant 0 : i32
    %c0_i32_0 = arith.constant 0 : i32
    return %arg0, %c0_i32 : i32, i32
  }
  func.func @transform_1(%arg0: i32) -> (i32, i32) {
    %c0_i32 = arith.constant 0 : i32
    %c0_i32_0 = arith.constant 0 : i32
    %c0_i32_1 = arith.constant 0 : i32
    return %c0_i32, %c0_i32_0 : i32, i32
  }
  func.func @transform_2(%arg0: i32) -> (i32, i32) {
    %c0_i32 = arith.constant 0 : i32
    %c0_i32_0 = arith.constant 0 : i32
    %c0_i32_1 = arith.constant 0 : i32
    return %c0_i32, %c0_i32_0 : i32, i32
  }
  func.func @transform_3(%arg0: i32) -> (i32, i32) {
    %c0_i32 = arith.constant 0 : i32
    %c0_i32_0 = arith.constant 0 : i32
    %c0_i32_1 = arith.constant 0 : i32
    return %c0_i32, %c0_i32_0 : i32, i32
  }
  func.func @transform_4(%arg0: i32) -> (i32, i32) {
    %c0_i32 = arith.constant 0 : i32
    %c0_i32_0 = arith.constant 0 : i32
    %c0_i32_1 = arith.constant 0 : i32
    return %c0_i32, %c0_i32_0 : i32, i32
  }
  func.func @transform_5(%arg0: i32) -> (i32, i32) {
    %c0_i32 = arith.constant 0 : i32
    %c0_i32_0 = arith.constant 0 : i32
    %c0_i32_1 = arith.constant 0 : i32
    return %c0_i32, %c0_i32_0 : i32, i32
  }
  func.func @transform_6(%arg0: i32) -> (i32, i32) {
    %c0_i32 = arith.constant 0 : i32
    %c0_i32_0 = arith.constant 0 : i32
    return %arg0, %c0_i32 : i32, i32
  }
}

</mosaic_0001>

<sc_bundles>
// kernel: kernel.11.cloned.1.call-start
scs
__scs_entry_jumppad:
0x0: {  	(pc) =	sbr.rel $0x88, $3  }
0x1: {  	(tag) =	ssettag $0x0;
	lr =	simm.s32 $0x1  }
0x2: {  	[smem:$0x3F98] =	sst lr;
	_ =	strace $0xD0000000  }
0x3: {  	_ = 	snop  }
0x4: {  	_ = 	snop  }
0x5: {  	_ = 	snop  }
0x6: {  	_ = 	snop  }
0x7: {  	_ = 	snop  }
__scs_overlays_trampoline_lowered:
0x8: {  	[smem:$0x3FA7] =	sst s0  }
0x9: {  	[smem:$0x3FA8] =	sst s1  }
0xa: {  	[smem:$0x3FA9] =	sst s2  }
0xb: {  	[smem:$0x3FAA] =	sst s3  }
0xc: {  	[smem:$0x3FAB] =	sst s4  }
0xd: {  	[smem:$0x3FAC] =	sst s5  }
0xe: {  	[smem:$0x3FAD] =	sst s6  }
0xf: {  	[smem:$0x3FAE] =	sst s7  }
0x10: {  	[smem:$0x3FAF] =	sst s8  }
0x11: {  	[smem:$0x3FB0] =	sst s9;
	s0 =	simm.s32 @!p0 $0x0  }
0x12: {  	s1 =	sld [smem:$0x3F96];
	s0 =	simm.s32 @p0 $0x1  }
0x13: {  	[smem:$0x3FB1] =	sst s0;
	s0 =	simm.s32 @!p1 $0x0  }
0x14: {  	s2 =	sld [smem:$0x3F95];
	s0 =	simm.s32 @p1 $0x1  }
0x15: {  	[smem:$0x3FB2] =	sst s0;
	s0 =	simm.s32 @!p2 $0x0  }
0x16: {  	s3 =	sld [smem:$0x3FDB];
	s0 =	simm.s32 @p2 $0x1  }
0x17: {  	s4 =	simm.s32 $0x1BF5;
	[smem:$0x3FB4] =	sst s0  }
0x18: {  	s0 =	sld [smem:$0x3F97];
	_ =	swait.ge [sflag:s4], $0x0  }
0x19: {  	s7 =	sld [smem:$0x3F98]  }
0x1a: {  	s8 =	sadd.s32 $0xFFFFE003, lr  }
0x1b: {  	s9 =	sadd.s32 $0xFFFFFEF7, lr;
	s5 =	simm.s32 $0xFFFFFFFF;
	p2 =	slt.u32 s8, $0xFFFFF086  }
0x1c: {  	p1 =	slt.u32 s9, $0xF7A;
	s5 =	simm.s32 @!p2 $0x0  }
0x1d: {  	s5 =	simm.s32 @p1 $0x1;
	p0 =	seq.s32 s7, s2  }
0x1e: {  	s7 =	smul.u32 @!p0 $0xF7A, s2;
	p2 =	seq.s32 @!p0 s5, $0x0  }
0x1f: {  	s9 =	smul.u32 $0xF7A, s1;
	s8 =	simm.s32 @!p0 $0x1BF5;
	p2 =	por !p2, p0  }
0x20: {  	[sflag:s8] =	ssyncset.s32 @!p0 $0xFFFFF086;
	s6 =	sadd.s32 @!p0 s3, s7;
	s7 =	simm.s32 @!p0 $0x108  }
0x21: {  	s3 =	sadd.s32 s3, s9;
	s6 =	sadd.s32 @!p0 $0x88, s6;
	s7 =	simm.s32 @p2 $0x1082  }
0x22: {  	[simem:s7], [sflag:s8] =	dma.local @!p0 [hbm:s6], $0xF7A  }
0x23: {  	s9 =	sor.u32 $0xD0000000, s2;
	s6 =	simm.s32 $0x108;
	_ =	swait.ge @!p0 [sflag:s8], $0x0  }
0x24: {  	s3 =	sadd.s32 $0x88, s3;
	s6 =	simm.s32 @!p1 $0x1082;
	[sflag:s4] =	ssyncset.s32 $0xFFFFF086  }
0x25: {  	[simem:s6], [sflag:s4] =	dma.local [hbm:s3], $0xF7A  }
0x26: {  	[smem:$0x3F98] =	sst s1;
	(tag) =	ssettag s2;
	_ =	strace s9  }
0x27: {  	s1 =	sld [smem:$0x3FA8]  }
0x28: {  	s2 =	sld [smem:$0x3FA9]  }
0x29: {  	s4 =	sld [smem:$0x3FAB]  }
0x2a: {  	p0 =	seq.s32 s5, $0x0;
	s5 =	sld [smem:$0x3FAC]  }
0x2b: {  	s6 =	sld [smem:$0x3FAD]  }
0x2c: {  	s7 =	sld [smem:$0x3FAE]  }
0x2d: {  	s3 =	simm.s32 $0x108;
	s8 =	sld [smem:$0x3FAF]  }
0x2e: {  	s3 =	simm.s32 @!p0 $0x1082;
	s9 =	sld [smem:$0x3FB0]  }
0x2f: {  	lr =	sadd.s32 s0, s3;
	s0 =	sld [smem:$0x3FA7]  }
0x30: {  	s3 =	sld [smem:$0x3FAA]  }
0x31: {  	[smem:$0x3FB3] =	sst s10  }
0x32: {  	s10 =	sld [smem:$0x3FB1];
	_ =	sdelay $0x3  }
0x33: {  	p0 =	seq.s32 s10, $0x1;
	s10 =	sld [smem:$0x3FB3];
	_ =	sdelay $0x3  }
0x34: {  	[smem:$0x3FB3] =	sst s10  }
0x35: {  	s10 =	sld [smem:$0x3FB2];
	_ =	sdelay $0x3  }
0x36: {  	p1 =	seq.s32 s10, $0x1;
	s10 =	sld [smem:$0x3FB3];
	_ =	sdelay $0x3  }
0x37: {  	[smem:$0x3FB3] =	sst s10  }
0x38: {  	s10 =	sld [smem:$0x3FB4]  }
0x39: {  	_ = 	snop;
	(pc) =	sbr.ind lr, $3  }
0x3a: {  	_ = 	snop  }
0x3b: {  	_ = 	snop  }
0x3c: {  	p2 =	seq.s32 s10, $0x1;
	s10 =	sld [smem:$0x3FB3]  }
0x3d: {  	_ =	shalt  }
0x3e: {  	_ =	shalt  }
0x3f: {  	_ =	shalt  }
0x40: {  	_ =	shalt  }
0x41: {  	_ =	shalt  }
0x42: {  	_ =	shalt  }
0x43: {  	_ =	shalt  }
0x44: {  	_ =	shalt  }
0x45: {  	_ =	shalt  }
0x46: {  	_ =	shalt  }
0x47: {  	_ =	shalt  }
0x48: {  	_ =	shalt  }
0x49: {  	_ =	shalt  }
0x4a: {  	_ =	shalt  }
0x4b: {  	_ =	shalt  }
0x4c: {  	_ =	shalt  }
0x4d: {  	_ =	shalt  }
0x4e: {  	_ =	shalt  }
0x4f: {  	_ =	shalt  }
0x50: {  	_ =	shalt  }
0x51: {  	_ =	shalt  }
0x52: {  	_ =	shalt  }
0x53: {  	_ =	shalt  }
0x54: {  	_ =	shalt  }
0x55: {  	_ =	shalt  }
0x56: {  	_ =	shalt  }
0x57: {  	_ =	shalt  }
0x58: {  	_ =	shalt  }
0x59: {  	_ =	shalt  }
0x5a: {  	_ =	shalt  }
0x5b: {  	_ =	shalt  }
0x5c: {  	_ =	shalt  }
0x5d: {  	_ =	shalt  }
0x5e: {  	_ =	shalt  }
0x5f: {  	_ =	shalt  }
0x60: {  	_ =	shalt  }
0x61: {  	_ =	shalt  }
0x62: {  	_ =	shalt  }
0x63: {  	_ =	shalt  }
0x64: {  	_ =	shalt  }
0x65: {  	_ =	shalt  }
0x66: {  	_ =	shalt  }
0x67: {  	_ =	shalt  }
0x68: {  	_ =	shalt  }
0x69: {  	_ =	shalt  }
0x6a: {  	_ =	shalt  }
0x6b: {  	_ =	shalt  }
0x6c: {  	_ =	shalt  }
0x6d: {  	_ =	shalt  }
0x6e: {  	_ =	shalt  }
0x6f: {  	_ =	shalt  }
0x70: {  	_ =	shalt  }
0x71: {  	_ =	shalt  }
0x72: {  	_ =	shalt  }
0x73: {  	_ =	shalt  }
0x74: {  	_ =	shalt  }
0x75: {  	_ =	shalt  }
0x76: {  	_ =	shalt  }
0x77: {  	_ =	shalt  }
0x78: {  	_ =	shalt  }
0x79: {  	_ =	shalt  }
0x7a: {  	_ =	shalt  }
0x7b: {  	_ =	shalt  }
0x7c: {  	_ =	shalt  }
0x7d: {  	_ =	shalt  }
0x7e: {  	_ =	shalt  }
0x7f: {  	_ =	shalt  }
0x80: {  	_ =	shalt  }
0x81: {  	_ =	shalt  }
0x82: {  	_ =	shalt  }
0x83: {  	_ =	shalt  }
0x84: {  	_ =	shalt  }
0x85: {  	_ =	shalt  }
0x86: {  	_ =	shalt  }
0x87: {  	_ =	shalt  }
.Lfunc_end0:
.L_simem_size_0:
called_computation_lowered:
.L_overlay_start_0:
0x88: {  	s2 =	sld [smem:$0x3FD9]  }
0x89: {  	s3 =	sld [smem:$0x3FFE];
	_ =	sdelay $0x1  }
0x8a: {  	s1 =	srdreg.scid  }
0x8b: {  	s0 =	sand.u32 $0x1, s1  }
0x8c: {  	s17 =	sshll.u32 s0, $0xA;
	s2 =	sadd.s32 s3, s2  }
0x8d: {  	s2 =	sadd.s32 s2, s17  }
0x8e: {  	[smem:$0x3FBF] =	sst s2  }
0x8f: {  	_ = 	snop  }
0x90: {  	s2 =	sld [smem:$0x3FD0];
	(tm) =	ssettm $0x1  }
0x91: {  	s18 =	sld [smem:$0x3FFB];
	_ =	sdelay $0x3  }
0x92: {  	_ =	strace s18  }
0x93: {  	s3 =	sld [smem:$0x3FFC];
	_ =	sdelay $0x3  }
0x94: {  	_ =	strace s3  }
0x95: {  	s3 =	sld [smem:$0x3FFD];
	_ =	sdelay $0x3  }
0x96: {  	_ =	strace s3  }
0x97: {  	_ =	strace $0x8FFFFFFF  }
0x98: {  	s19 =	sld [smem:$0x3FDB];
	_ =	sdelay $0x1  }
0x99: {  	s4 =	simm.s32 $_scs_section_size  }
0x9a: {  	s5 =	simm.s32 $_size__tile_overlayer_lowered;
	s6 =	simm.s32 $_tile_overlayer_lowered  }
0x9b: {  	s22 =	simm.s32 $0x1BFF;
	s21 =	sshll.u32 s6, $0x1;
	s3 =	sadd.s32 s4, s19  }
0x9c: {  	s7 =	simm.s32 $0x0;
	s20 =	sshll.u32 s5, $0x1;
	s5 =	sadd.s32 s21, s3  }
0x9d: {  	[timem:s7], [sflag:s22] =	dma.local [hbm:s5], s20  }
0x9e: {  	_ =	swait.ge [sflag:s22], s20  }
0x9f: {  	s4 =	ssub.s32 $0x0, s20;
	[sflag:s22] =	ssyncset.done $0x0  }
0xa0: {  	[sflag:s22] =	ssyncadd.s32 s4;
	_ =	sdelay $0x1  }
0xa1: {  	s23 =	simm.s32 $0x1B8B  }
0xa2: {  	_ =	swait.ge [sflag:s23], $0x1  }
0xa3: {  	[sflag:s23] =	ssyncset.done $0x0  }
0xa4: {  	s25 =	simm.s32 $0x1B8E;
	s24 =	sld [smem:$0x3FFE];
	[sflag:s23] =	ssyncadd.s32 $0xFFFFFFFF  }
0xa5: {  	s26 =	simm.s32 $execute0_lowered;
	[smem:$0x3FD2] =	sst s25  }
0xa6: {  	s5 =	sshll.u32 s26, $0x1;
	_ =	strace $0x80000046;
	[dreg:$0x1] =	wrdreg $0xFFFFFFFF  }
0xa7: {  	s28 =	simm.s32 $_size_execute0_lowered;
	s3 =	sadd.s32 s3, s5;
	[dreg:$0x0] =	wrdreg $0x0  }
0xa8: {  	s5 =	sshll.u32 s28, $0x1;
	[dreg:$0x2] =	wrdreg s3  }
0xa9: {  	[dreg:$0x3] =	wrdreg s5  }
0xaa: {  	[dreg:$0x4] =	wrdreg $0xC0  }
0xab: {  	_ =	task [dreg:s7], $0x5FFFF  }
0xac: {  	[dreg:$0x1] =	wrdreg $0xFFFFFFFF  }
0xad: {  	[dreg:$0x0] =	wrdreg $0x60  }
0xae: {  	[dreg:$0x2] =	wrdreg s2  }
0xaf: {  	[dreg:$0x3] =	wrdreg s24  }
0xb0: {  	[dreg:$0x4] =	wrdreg $0xDE000  }
0xb1: {  	[dreg:$0x5] =	wrdreg $0x9  }
0xb2: {  	_ =	task.clear_ibuf [dreg:s7], $0x6FFFF;
	_ =	strace $0x90000046  }
0xb3: {  	s29 =	simm.s32 $0x9;
	_ =	strace $0x80000048  }
0xb4: {  	_ =	swait.ge [sflag:s29], $0x1  }
0xb5: {  	[sflag:s29] =	ssyncadd.s32 $0xFFFFFFFF  }
0xb6: {  	_ =	strace $0x90000048  }
0xb7: {  	_ =	sfence  }
0xb8: {  	s30 =	sld [smem:$0x0];
	_ =	sdelay $0x2  }
0xb9: {  	s31 =	sshll.u32 s1, $0xD;
	s1 =	sshrl.u32 s1, $0x2  }
0xba: {  	s3 =	sand.u32 $0x4000, s31;
	s1 =	sadd.s32 s1, s30  }
0xbb: {  	s0 =	sor.u32 s3, s0;
	s1 =	sshll.u32 s1, $0x11  }
0xbc: {  	s0 =	sor.u32 s1, s0  }
0xbd: {  	s0 =	sadd.s32 $0x8F2B, s0  }
0xbe: {  	[sflag:s0] =	ssyncadd.remote.s32 $0x1  }
0xbf: {  	_ =	sfence.sel $0xFFFF  }
0xc0: {  	[dreg:$0x0] =	wrdreg $0xFFFFFFFF;
	(pc) =	sbr.abs _section_cstart, $3  }
0xc1: {  	[dreg:$0x1] =	wrdreg $0xFFFFFFFF  }
0xc2: {  	_ =	task.clear_ibuf [dreg:s7], $0x2FFFF;
	_ =	strace $0x9FFFFFFF  }
0xc3: {  	(tm) =	ssettm $0x7FFFFFFF  }
tec
execute0_lowered:
.L_overlay_start_1:
0x0: {  	(tag) =	ssettag $0x1  }
0x1: {  	s8 =	rddreg [dreg:$0x0]  }
0x2: {  	s5 =	rddreg [dreg:$0x1]  }
0x3: {  	s2 =	rddreg [dreg:$0x2]  }
0x4: {  	s0 =	rddreg [dreg:$0x3]  }
0x5: {  	s1 =	stileid.u32;
	s6 =	srdreg.scid  }
0x6: {  	s3 =	simm.s32 $0x0;
	s16 =	simm.s32 $0xBE00;
	s17 =	simm.s32 $0x1  }
0x7: {  	s18 =	simm.s32 $0x2;
	s19 =	simm.s32 $0x9D00;
	s20 =	simm.s32 $0x9D80  }
0x8: {  	s21 =	simm.s32 $0x10;
	s22 =	simm.s32 $0x8;
	s4 =	smul.u32 $0x9E0, s1  }
0x9: {  	s23 =	simm.s32 $0x0;
	s6 =	sand.u32 $0x1, s6;
	s7 =	smul.u32 $0x13C00, s1  }
0xa: {  	[smem:$0x7FF] =	sst s3;
	s11 =	smul.u32 $0x27800, s1;
	s31 =	sshll.u32 s1, $0x6  }
0xb: {  	s9 =	sshll.u32 s6, $0x6;
	_ =	strace $0x80000047;
	s28 =	ssub.s32 $0x2, s6  }
0xc: {  	s13 =	smul.u32 $0x13880, s6;
	s10 =	sadd.s32 s4, s5;
	s26 =	sor.u32 s9, s7  }
0xd: {  	s4 =	sadd.s32 $0x16E00, s5;
	s29 =	sshrl.u32 s28, $0x1;
	s30 =	sshrl.u32 s11, $0x2  }
0xe: {  	s7 =	sshrl.u32 s26, $0x3;
	s14 =	ssub.s32 s28, s29;
	s15 =	sadd.s32 s30, s2  }
0xf: {  	s6 =	sadd.s32 $0xD000, s10;
	s8 =	sadd.s32 s8, s13;
	s13 =	simm.s32 $0x4F00  }
0x10: {  	s12 =	sadd.s32 s7, s5;
	s5 =	sor.u32 $0x1C03, s31;
	s7 =	sadd.s32 $0x3200, s10  }
0x11: {  	s10 =	smax.u32 s14, $0x1;
	s11 =	sshrl.u32 s15, $0x3;
	s14 =	simm.s32 $0x80  }
0x12: {  	s15 =	simm.s32 $0x9E00;
	s9 =	sadd.s32 $0x18200, s12;
	s12 =	simm.s32 $0x3  }
.LBB2_1:
0x13: {  	[spmem:s11], [sflag:s5] =	dma.local [hbm:s4], $0x13C0  }
0x14: {  	_ =	swait.ge [sflag:s12], $0x13C0  }
0x15: {  	[sflag:s12] =	ssyncset.done $0x0  }
0x16: {  	[sflag:s12] =	ssyncadd.s32 $0xFFFFEC40  }
0x17: {  	[tilespmem:s3], [sflag:$0x3] =	stream.linear.gather [hbm4b:s6+s3], $0x4F00, $0x38;
	[tilespmem:$0x17C00] =	vst v63  }
0x18: {  	_ =	swait.ge [sflag:s12], $0x4F00  }
0x19: {  	[sflag:s12] =	ssyncset.done $0x0  }
0x1a: {  	[sflag:s12] =	ssyncadd.s32 $0xFFFFB100  }
0x1b: {  	[tilespmem:s13], [sflag:$0x3] =	stream.linear.gather [hbm4b:s7+s3], $0x4F00, $0x38;
	[tilespmem:$0x17C00] =	vst v63  }
0x1c: {  	_ =	swait.ge [sflag:s12], $0x4F00  }
0x1d: {  	[sflag:s12] =	ssyncset.done $0x0  }
0x1e: {  	[sflag:s12] =	ssyncadd.s32 $0xFFFFB100  }
0x1f: {  	[bflag:$0x0] =	sbarrier.arrive $0xFFFF  }
0x20: {  	[tilespmem:s15], [sflag:$0x1] =	stream.indirect.gather [hbm4b:s8+s14], $0x40, s3, s14, $0xb8;
	[tilespmem:$0x17C00] =	vst v63  }
0x21: {  	_ = 	snop  }
0x22: {  	[tilespmem:s16], [sflag:$0x2] =	stream.indirect.gather [hbm4b:s8+s14], $0x40, s14, s14, $0xb8;
	[tilespmem:$0x17C00] =	vst v63  }
0x23: {  	_ =	swait.ge [sflag:s17], $0x2000  }
0x24: {  	[sflag:s17] =	ssyncset.done $0x0  }
0x25: {  	s24 =	simm.s32 $0x4F00;
	[sflag:s17] =	ssyncadd.s32 $0xFFFFE000  }
0x26: {  	[spmem:s2] =	stream.indirect.scatter.add.f32 [tilespmem:s15], [sflag:$0x3], $0x40, s24, s14, $0xb8;
	[tilespmem:$0x17C00] =	vst v63  }
0x27: {  	_ =	swait.ge [sflag:s12], $0x2000  }
0x28: {  	[sflag:s12] =	ssyncset.done $0x0  }
0x29: {  	s30 =	simm.s32 $0x100;
	[sflag:s12] =	ssyncadd.s32 $0xFFFFE000  }
0x2a: {  	[tilespmem:s15], [sflag:$0x1] =	stream.indirect.gather [hbm4b:s8+s14], $0x40, s30, s14, $0xb8;
	[tilespmem:$0x17C00] =	vst v63  }
0x2b: {  	_ =	swait.ge [sflag:s18], $0x2000  }
0x2c: {  	[sflag:s18] =	ssyncset.done $0x0  }
0x2d: {  	s31 =	simm.s32 $0x4F80;
	[sflag:s18] =	ssyncadd.s32 $0xFFFFE000  }
0x2e: {  	[spmem:s2] =	stream.indirect.scatter.add.f32 [tilespmem:s16], [sflag:$0x3], $0x40, s31, s14, $0xb8;
	[tilespmem:$0x17C00] =	vst v63  }
0x2f: {  	_ =	swait.ge [sflag:s12], $0x2000  }
0x30: {  	[sflag:s12] =	ssyncset.done $0x0  }
0x31: {  	s25 =	simm.s32 $0x180;
	s24 =	simm.s32 $0x400;
	[sflag:s12] =	ssyncadd.s32 $0xFFFFE000  }
.LBB2_2:
0x32: {  	[tilespmem:s16], [sflag:$0x2] =	stream.indirect.gather [hbm4b:s8+s14], $0x40, s25, s14, $0xb8;
	[tilespmem:$0x17C00] =	vst v63  }
0x33: {  	s25 =	smov.u32 s24  }
0x34: {  	p0 =	sne.s32 s24, $0x13400;
	s24 =	sadd.s32 $0x400, s24;
	_ =	swait.ge [sflag:s17], $0x2000  }
0x35: {  	s25 =	sshra.s32 s25, $0x2;
	[sflag:s17] =	ssyncset.done $0x0  }
0x36: {  	s26 =	sadd.s32 $0x4F00, s25;
	[sflag:s17] =	ssyncadd.s32 $0xFFFFE000  }
0x37: {  	[spmem:s2] =	stream.indirect.scatter.add.f32 [tilespmem:s15], [sflag:$0x3], $0x40, s26, s14, $0xb8;
	[tilespmem:$0x17C00] =	vst v63  }
0x38: {  	_ =	swait.ge [sflag:s12], $0x2000  }
0x39: {  	[sflag:s12] =	ssyncset.done $0x0  }
0x3a: {  	s26 =	sadd.s32 $0x100, s25;
	[sflag:s12] =	ssyncadd.s32 $0xFFFFE000  }
0x3b: {  	[tilespmem:s15], [sflag:$0x1] =	stream.indirect.gather [hbm4b:s8+s14], $0x40, s26, s14, $0xb8;
	[tilespmem:$0x17C00] =	vst v63  }
0x3c: {  	_ =	swait.ge [sflag:s18], $0x2000  }
0x3d: {  	[sflag:s18] =	ssyncset.done $0x0  }
.Ltmp0:
0x3e: {  	s26 =	sadd.s32 $0x4F80, s25;
	[sflag:s18] =	ssyncadd.s32 $0xFFFFE000;
	(pc) =	sbr.rel @p0 .LBB2_2-.Ltmp0, $4  }
0x3f: {  	[spmem:s2] =	stream.indirect.scatter.add.f32 [tilespmem:s16], [sflag:$0x3], $0x40, s26, s14, $0xb8;
	[tilespmem:$0x17C00] =	vst v63  }
0x40: {  	_ =	swait.ge [sflag:s12], $0x2000  }
0x41: {  	[sflag:s12] =	ssyncset.done $0x0  }
0x42: {  	s25 =	sadd.s32 $0x180, s25;
	[sflag:s12] =	ssyncadd.s32 $0xFFFFE000  }
0x43: {  	[tilespmem:s16], [sflag:$0x2] =	stream.indirect.gather [hbm4b:s8+s14], $0x40, s25, s14, $0xb8;
	[tilespmem:$0x17C00] =	vst v63  }
0x44: {  	_ =	swait.ge [sflag:s17], $0x2000  }
0x45: {  	[sflag:s17] =	ssyncset.done $0x0  }
0x46: {  	[sflag:s17] =	ssyncadd.s32 $0xFFFFE000  }
0x47: {  	[spmem:s2] =	stream.indirect.scatter.add.f32 [tilespmem:s15], [sflag:$0x3], $0x40, s19, s14, $0xb8;
	[tilespmem:$0x17C00] =	vst v63  }
0x48: {  	_ =	swait.ge [sflag:s12], $0x2000  }
0x49: {  	[sflag:s12] =	ssyncset.done $0x0  }
0x4a: {  	[sflag:s12] =	ssyncadd.s32 $0xFFFFE000  }
0x4b: {  	_ =	swait.ge [sflag:s18], $0x2000  }
0x4c: {  	[sflag:s18] =	ssyncset.done $0x0  }
0x4d: {  	[sflag:s18] =	ssyncadd.s32 $0xFFFFE000  }
0x4e: {  	[spmem:s2] =	stream.indirect.scatter.add.f32 [tilespmem:s16], [sflag:$0x3], $0x40, s20, s14, $0xb8;
	[tilespmem:$0x17C00] =	vst v63  }
0x4f: {  	_ =	swait.ge [sflag:s12], $0x2000  }
0x50: {  	s23 =	sadd.s32 $0x1, s23;
	[sflag:s12] =	ssyncset.done $0x0  }
0x51: {  	p0 =	sne.s32 s23, s10;
	[sflag:s12] =	ssyncadd.s32 $0xFFFFE000  }
.Ltmp1:
0x52: {  	[bflag:$0x0] =	sbarrier.arrive $0xFFFF;
	(pc) =	sbr.rel @p0 .LBB2_1-.Ltmp1, $4  }
0x53: {  	[hbm:s9@s21], [sflag:s5] =	dma.strided [spmem:s11@s22], $0x13C0, s17, $0x8   }
0x54: {  	_ =	swait.ge [sflag:s12], $0x13C0  }
0x55: {  	[sflag:s12] =	ssyncset.done $0x0  }
0x56: {  	[sflag:s12] =	ssyncadd.s32 $0xFFFFEC40  }
0x57: {  	_ =	sfence.sel $0x180000  }
0x58: {  	[bflag:$0x0] =	sbarrier.arrive $0xFFFF  }
0x59: {  	p0 =	sne.s32 s1, $0x0;
	_ =	strace $0x90000047  }
0x5a: {  	s0 =	sadd.s32 @!p0 $0x100000, s0;
	[bflag:$0x2] =	sbarrier.arrive $0xFFFF  }
0x5b: {  	[sflag:s0] =	ssyncadd.tile.s32 @!p0 $0x1;
	_ =	shalt  }
.Lfunc_end2:
_tile_overlayer_lowered:
.L_overlay_start_2:
0x5c: {  	(tag) =	ssettag $0x2  }
0x5d: {  	s0 =	rddreg [dreg:$0x0];
	s2 =	stileid.u32  }
0x5e: {  	s1 =	rddreg [dreg:$0x1];
	p0 =	sne.s32 s2, $0x0  }
0x5f: {  	s3 =	rddreg [dreg:$0x2];
	[bflag:$0x3] =	sbarrier.arrive $0xFFFF;
	s2 =	simm.s32 @!p0 $0x1C03  }
0x60: {  	[timem:s3], [sflag:s2] =	dma.local @!p0 [hbm:s0], s1  }
0x61: {  	s0 =	simm.s32 @!p0 $0x3  }
0x62: {  	_ =	swait.ge @!p0 [sflag:s0], s1  }
0x63: {  	s1 =	ssub.s32 @!p0 $0x0, s1;
	[sflag:s0] =	ssyncset.done @!p0 $0x0  }
0x64: {  	[sflag:s0] =	ssyncadd.s32 @!p0 s1  }
0x65: {  	[bflag:$0x3] =	sbarrier.arrive $0xFFFF  }
0x66: {  	_ =	shalt  }

// kernel: kernel.14.cloned.1.call-start
scs
__scs_entry_jumppad:
0x0: {  	(pc) =	sbr.rel $0x88, $3  }
0x1: {  	(tag) =	ssettag $0x0;
	lr =	simm.s32 $0x1  }
0x2: {  	[smem:$0x3F98] =	sst lr;
	_ =	strace $0xD0000000  }
0x3: {  	_ = 	snop  }
0x4: {  	_ = 	snop  }
0x5: {  	_ = 	snop  }
0x6: {  	_ = 	snop  }
0x7: {  	_ = 	snop  }
__scs_overlays_trampoline_lowered:
0x8: {  	[smem:$0x3FA7] =	sst s0  }
0x9: {  	[smem:$0x3FA8] =	sst s1  }
0xa: {  	[smem:$0x3FA9] =	sst s2  }
0xb: {  	[smem:$0x3FAA] =	sst s3  }
0xc: {  	[smem:$0x3FAB] =	sst s4  }
0xd: {  	[smem:$0x3FAC] =	sst s5  }
0xe: {  	[smem:$0x3FAD] =	sst s6  }
0xf: {  	[smem:$0x3FAE] =	sst s7  }
0x10: {  	[smem:$0x3FAF] =	sst s8  }
0x11: {  	[smem:$0x3FB0] =	sst s9;
	s0 =	simm.s32 @!p0 $0x0  }
0x12: {  	s1 =	sld [smem:$0x3F96];
	s0 =	simm.s32 @p0 $0x1  }
0x13: {  	[smem:$0x3FB1] =	sst s0;
	s0 =	simm.s32 @!p1 $0x0  }
0x14: {  	s2 =	sld [smem:$0x3F95];
	s0 =	simm.s32 @p1 $0x1  }
0x15: {  	[smem:$0x3FB2] =	sst s0;
	s0 =	simm.s32 @!p2 $0x0  }
0x16: {  	s3 =	sld [smem:$0x3FDB];
	s0 =	simm.s32 @p2 $0x1  }
0x17: {  	s4 =	simm.s32 $0x1BF5;
	[smem:$0x3FB4] =	sst s0  }
0x18: {  	s0 =	sld [smem:$0x3F97];
	_ =	swait.ge [sflag:s4], $0x0  }
0x19: {  	s7 =	sld [smem:$0x3F98]  }
0x1a: {  	s8 =	sadd.s32 $0xFFFFE003, lr  }
0x1b: {  	s9 =	sadd.s32 $0xFFFFFEF7, lr;
	s5 =	simm.s32 $0xFFFFFFFF;
	p2 =	slt.u32 s8, $0xFFFFF086  }
0x1c: {  	p1 =	slt.u32 s9, $0xF7A;
	s5 =	simm.s32 @!p2 $0x0  }
0x1d: {  	s5 =	simm.s32 @p1 $0x1;
	p0 =	seq.s32 s7, s2  }
0x1e: {  	s7 =	smul.u32 @!p0 $0xF7A, s2;
	p2 =	seq.s32 @!p0 s5, $0x0  }
0x1f: {  	s9 =	smul.u32 $0xF7A, s1;
	s8 =	simm.s32 @!p0 $0x1BF5;
	p2 =	por !p2, p0  }
0x20: {  	[sflag:s8] =	ssyncset.s32 @!p0 $0xFFFFF086;
	s6 =	sadd.s32 @!p0 s3, s7;
	s7 =	simm.s32 @!p0 $0x108  }
0x21: {  	s3 =	sadd.s32 s3, s9;
	s6 =	sadd.s32 @!p0 $0x88, s6;
	s7 =	simm.s32 @p2 $0x1082  }
0x22: {  	[simem:s7], [sflag:s8] =	dma.local @!p0 [hbm:s6], $0xF7A  }
0x23: {  	s9 =	sor.u32 $0xD0000000, s2;
	s6 =	simm.s32 $0x108;
	_ =	swait.ge @!p0 [sflag:s8], $0x0  }
0x24: {  	s3 =	sadd.s32 $0x88, s3;
	s6 =	simm.s32 @!p1 $0x1082;
	[sflag:s4] =	ssyncset.s32 $0xFFFFF086  }
0x25: {  	[simem:s6], [sflag:s4] =	dma.local [hbm:s3], $0xF7A  }
0x26: {  	[smem:$0x3F98] =	sst s1;
	(tag) =	ssettag s2;
	_ =	strace s9  }
0x27: {  	s1 =	sld [smem:$0x3FA8]  }
0x28: {  	s2 =	sld [smem:$0x3FA9]  }
0x29: {  	s4 =	sld [smem:$0x3FAB]  }
0x2a: {  	p0 =	seq.s32 s5, $0x0;
	s5 =	sld [smem:$0x3FAC]  }
0x2b: {  	s6 =	sld [smem:$0x3FAD]  }
0x2c: {  	s7 =	sld [smem:$0x3FAE]  }
0x2d: {  	s3 =	simm.s32 $0x108;
	s8 =	sld [smem:$0x3FAF]  }
0x2e: {  	s3 =	simm.s32 @!p0 $0x1082;
	s9 =	sld [smem:$0x3FB0]  }
0x2f: {  	lr =	sadd.s32 s0, s3;
	s0 =	sld [smem:$0x3FA7]  }
0x30: {  	s3 =	sld [smem:$0x3FAA]  }
0x31: {  	[smem:$0x3FB3] =	sst s10  }
0x32: {  	s10 =	sld [smem:$0x3FB1];
	_ =	sdelay $0x3  }
0x33: {  	p0 =	seq.s32 s10, $0x1;
	s10 =	sld [smem:$0x3FB3];
	_ =	sdelay $0x3  }
0x34: {  	[smem:$0x3FB3] =	sst s10  }
0x35: {  	s10 =	sld [smem:$0x3FB2];
	_ =	sdelay $0x3  }
0x36: {  	p1 =	seq.s32 s10, $0x1;
	s10 =	sld [smem:$0x3FB3];
	_ =	sdelay $0x3  }
0x37: {  	[smem:$0x3FB3] =	sst s10  }
0x38: {  	s10 =	sld [smem:$0x3FB4]  }
0x39: {  	_ = 	snop;
	(pc) =	sbr.ind lr, $3  }
0x3a: {  	_ = 	snop  }
0x3b: {  	_ = 	snop  }
0x3c: {  	p2 =	seq.s32 s10, $0x1;
	s10 =	sld [smem:$0x3FB3]  }
0x3d: {  	_ =	shalt  }
0x3e: {  	_ =	shalt  }
0x3f: {  	_ =	shalt  }
0x40: {  	_ =	shalt  }
0x41: {  	_ =	shalt  }
0x42: {  	_ =	shalt  }
0x43: {  	_ =	shalt  }
0x44: {  	_ =	shalt  }
0x45: {  	_ =	shalt  }
0x46: {  	_ =	shalt  }
0x47: {  	_ =	shalt  }
0x48: {  	_ =	shalt  }
0x49: {  	_ =	shalt  }
0x4a: {  	_ =	shalt  }
0x4b: {  	_ =	shalt  }
0x4c: {  	_ =	shalt  }
0x4d: {  	_ =	shalt  }
0x4e: {  	_ =	shalt  }
0x4f: {  	_ =	shalt  }
0x50: {  	_ =	shalt  }
0x51: {  	_ =	shalt  }
0x52: {  	_ =	shalt  }
0x53: {  	_ =	shalt  }
0x54: {  	_ =	shalt  }
0x55: {  	_ =	shalt  }
0x56: {  	_ =	shalt  }
0x57: {  	_ =	shalt  }
0x58: {  	_ =	shalt  }
0x59: {  	_ =	shalt  }
0x5a: {  	_ =	shalt  }
0x5b: {  	_ =	shalt  }
0x5c: {  	_ =	shalt  }
0x5d: {  	_ =	shalt  }
0x5e: {  	_ =	shalt  }
0x5f: {  	_ =	shalt  }
0x60: {  	_ =	shalt  }
0x61: {  	_ =	shalt  }
0x62: {  	_ =	shalt  }
0x63: {  	_ =	shalt  }
0x64: {  	_ =	shalt  }
0x65: {  	_ =	shalt  }
0x66: {  	_ =	shalt  }
0x67: {  	_ =	shalt  }
0x68: {  	_ =	shalt  }
0x69: {  	_ =	shalt  }
0x6a: {  	_ =	shalt  }
0x6b: {  	_ =	shalt  }
0x6c: {  	_ =	shalt  }
0x6d: {  	_ =	shalt  }
0x6e: {  	_ =	shalt  }
0x6f: {  	_ =	shalt  }
0x70: {  	_ =	shalt  }
0x71: {  	_ =	shalt  }
0x72: {  	_ =	shalt  }
0x73: {  	_ =	shalt  }
0x74: {  	_ =	shalt  }
0x75: {  	_ =	shalt  }
0x76: {  	_ =	shalt  }
0x77: {  	_ =	shalt  }
0x78: {  	_ =	shalt  }
0x79: {  	_ =	shalt  }
0x7a: {  	_ =	shalt  }
0x7b: {  	_ =	shalt  }
0x7c: {  	_ =	shalt  }
0x7d: {  	_ =	shalt  }
0x7e: {  	_ =	shalt  }
0x7f: {  	_ =	shalt  }
0x80: {  	_ =	shalt  }
0x81: {  	_ =	shalt  }
0x82: {  	_ =	shalt  }
0x83: {  	_ =	shalt  }
0x84: {  	_ =	shalt  }
0x85: {  	_ =	shalt  }
0x86: {  	_ =	shalt  }
0x87: {  	_ =	shalt  }
.Lfunc_end0:
.L_simem_size_0:
called_computation.1_lowered:
.L_overlay_start_0:
0x88: {  	s2 =	sld [smem:$0x3FD9]  }
0x89: {  	s3 =	sld [smem:$0x3FFE];
	_ =	sdelay $0x1  }
0x8a: {  	s1 =	srdreg.scid  }
0x8b: {  	s0 =	sand.u32 $0x1, s1  }
0x8c: {  	s17 =	sshll.u32 s0, $0xA;
	s2 =	sadd.s32 s3, s2  }
0x8d: {  	s2 =	sadd.s32 s2, s17  }
0x8e: {  	[smem:$0x3FBF] =	sst s2  }
0x8f: {  	_ = 	snop  }
0x90: {  	s2 =	sld [smem:$0x3FD0];
	(tm) =	ssettm $0x1  }
0x91: {  	s18 =	sld [smem:$0x3FFB];
	_ =	sdelay $0x3  }
0x92: {  	_ =	strace s18  }
0x93: {  	s3 =	sld [smem:$0x3FFC];
	_ =	sdelay $0x3  }
0x94: {  	_ =	strace s3  }
0x95: {  	s3 =	sld [smem:$0x3FFD];
	_ =	sdelay $0x3  }
0x96: {  	_ =	strace s3  }
0x97: {  	_ =	strace $0x8FFFFFFF  }
0x98: {  	s19 =	sld [smem:$0x3FDB];
	_ =	sdelay $0x1  }
0x99: {  	s4 =	simm.s32 $_scs_section_size  }
0x9a: {  	s5 =	simm.s32 $_size__tile_overlayer_lowered;
	s6 =	simm.s32 $_tile_overlayer_lowered  }
0x9b: {  	s22 =	simm.s32 $0x1BFF;
	s21 =	sshll.u32 s6, $0x1;
	s3 =	sadd.s32 s4, s19  }
0x9c: {  	s7 =	simm.s32 $0x0;
	s20 =	sshll.u32 s5, $0x1;
	s5 =	sadd.s32 s21, s3  }
0x9d: {  	[timem:s7], [sflag:s22] =	dma.local [hbm:s5], s20  }
0x9e: {  	_ =	swait.ge [sflag:s22], s20  }
0x9f: {  	s4 =	ssub.s32 $0x0, s20;
	[sflag:s22] =	ssyncset.done $0x0  }
0xa0: {  	[sflag:s22] =	ssyncadd.s32 s4;
	_ =	sdelay $0x1  }
0xa1: {  	s23 =	simm.s32 $0x1B8B  }
0xa2: {  	_ =	swait.ge [sflag:s23], $0x1  }
0xa3: {  	[sflag:s23] =	ssyncset.done $0x0  }
0xa4: {  	s25 =	simm.s32 $0x1B8E;
	s24 =	sld [smem:$0x3FFE];
	[sflag:s23] =	ssyncadd.s32 $0xFFFFFFFF  }
0xa5: {  	s26 =	simm.s32 $execute0_lowered;
	[smem:$0x3FD2] =	sst s25  }
0xa6: {  	s5 =	sshll.u32 s26, $0x1;
	_ =	strace $0x80000049;
	[dreg:$0x1] =	wrdreg $0xFFFFFFFF  }
0xa7: {  	s28 =	simm.s32 $_size_execute0_lowered;
	s3 =	sadd.s32 s3, s5;
	[dreg:$0x0] =	wrdreg $0x0  }
0xa8: {  	s5 =	sshll.u32 s28, $0x1;
	[dreg:$0x2] =	wrdreg s3  }
0xa9: {  	[dreg:$0x3] =	wrdreg s5  }
0xaa: {  	[dreg:$0x4] =	wrdreg $0xC0  }
0xab: {  	_ =	task [dreg:s7], $0x5FFFF  }
0xac: {  	[dreg:$0x1] =	wrdreg $0xFFFFFFFF  }
0xad: {  	[dreg:$0x0] =	wrdreg $0x60  }
0xae: {  	[dreg:$0x2] =	wrdreg s2  }
0xaf: {  	[dreg:$0x3] =	wrdreg s24  }
0xb0: {  	[dreg:$0x4] =	wrdreg $0xDE000  }
0xb1: {  	[dreg:$0x5] =	wrdreg $0x9  }
0xb2: {  	_ =	task.clear_ibuf [dreg:s7], $0x6FFFF;
	_ =	strace $0x90000049  }
0xb3: {  	s29 =	simm.s32 $0x9;
	_ =	strace $0x8000004B  }
0xb4: {  	_ =	swait.ge [sflag:s29], $0x1  }
0xb5: {  	[sflag:s29] =	ssyncadd.s32 $0xFFFFFFFF  }
0xb6: {  	_ =	strace $0x9000004B  }
0xb7: {  	_ =	sfence  }
0xb8: {  	s30 =	sld [smem:$0x0];
	_ =	sdelay $0x2  }
0xb9: {  	s31 =	sshll.u32 s1, $0xD;
	s1 =	sshrl.u32 s1, $0x2  }
0xba: {  	s3 =	sand.u32 $0x4000, s31;
	s1 =	sadd.s32 s1, s30  }
0xbb: {  	s0 =	sor.u32 s3, s0;
	s1 =	sshll.u32 s1, $0x11  }
0xbc: {  	s0 =	sor.u32 s1, s0  }
0xbd: {  	s0 =	sadd.s32 $0x8F2B, s0  }
0xbe: {  	[sflag:s0] =	ssyncadd.remote.s32 $0x1  }
0xbf: {  	_ =	sfence.sel $0xFFFF  }
0xc0: {  	[dreg:$0x0] =	wrdreg $0xFFFFFFFF;
	(pc) =	sbr.abs _section_cstart, $3  }
0xc1: {  	[dreg:$0x1] =	wrdreg $0xFFFFFFFF  }
0xc2: {  	_ =	task.clear_ibuf [dreg:s7], $0x2FFFF;
	_ =	strace $0x9FFFFFFF  }
0xc3: {  	(tm) =	ssettm $0x7FFFFFFF  }
tec
execute0_lowered:
.L_overlay_start_1:
0x0: {  	(tag) =	ssettag $0x1  }
0x1: {  	s8 =	rddreg [dreg:$0x0]  }
0x2: {  	s5 =	rddreg [dreg:$0x1]  }
0x3: {  	s2 =	rddreg [dreg:$0x2]  }
0x4: {  	s0 =	rddreg [dreg:$0x3]  }
0x5: {  	s1 =	stileid.u32;
	s6 =	srdreg.scid  }
0x6: {  	s3 =	simm.s32 $0x0;
	s16 =	simm.s32 $0xBE00;
	s17 =	simm.s32 $0x1  }
0x7: {  	s18 =	simm.s32 $0x2;
	s19 =	simm.s32 $0x9D00;
	s20 =	simm.s32 $0x9D80  }
0x8: {  	s21 =	simm.s32 $0x10;
	s22 =	simm.s32 $0x8;
	s4 =	smul.u32 $0x9E0, s1  }
0x9: {  	s23 =	simm.s32 $0x0;
	s6 =	sand.u32 $0x1, s6;
	s7 =	smul.u32 $0x13C00, s1  }
0xa: {  	[smem:$0x7FF] =	sst s3;
	s11 =	smul.u32 $0x27800, s1;
	s31 =	sshll.u32 s1, $0x6  }
0xb: {  	s9 =	sshll.u32 s6, $0x6;
	_ =	strace $0x8000004A;
	s28 =	ssub.s32 $0x2, s6  }
0xc: {  	s13 =	smul.u32 $0x13880, s6;
	s10 =	sadd.s32 s4, s5;
	s26 =	sor.u32 s9, s7  }
0xd: {  	s4 =	sadd.s32 $0x16E00, s5;
	s29 =	sshrl.u32 s28, $0x1;
	s30 =	sshrl.u32 s11, $0x2  }
0xe: {  	s7 =	sshrl.u32 s26, $0x3;
	s14 =	ssub.s32 s28, s29;
	s15 =	sadd.s32 s30, s2  }
0xf: {  	s6 =	sadd.s32 $0xD000, s10;
	s8 =	sadd.s32 s8, s13;
	s13 =	simm.s32 $0x4F00  }
0x10: {  	s12 =	sadd.s32 s7, s5;
	s5 =	sor.u32 $0x1C03, s31;
	s7 =	sadd.s32 $0x3200, s10  }
0x11: {  	s10 =	smax.u32 s14, $0x1;
	s11 =	sshrl.u32 s15, $0x3;
	s14 =	simm.s32 $0x80  }
0x12: {  	s15 =	simm.s32 $0x9E00;
	s9 =	sadd.s32 $0x18200, s12;
	s12 =	simm.s32 $0x3  }
.LBB2_1:
0x13: {  	[spmem:s11], [sflag:s5] =	dma.local [hbm:s4], $0x13C0  }
0x14: {  	_ =	swait.ge [sflag:s12], $0x13C0  }
0x15: {  	[sflag:s12] =	ssyncset.done $0x0  }
0x16: {  	[sflag:s12] =	ssyncadd.s32 $0xFFFFEC40  }
0x17: {  	[tilespmem:s3], [sflag:$0x3] =	stream.linear.gather [hbm4b:s6+s3], $0x4F00, $0x38;
	[tilespmem:$0x17C00] =	vst v63  }
0x18: {  	_ =	swait.ge [sflag:s12], $0x4F00  }
0x19: {  	[sflag:s12] =	ssyncset.done $0x0  }
0x1a: {  	[sflag:s12] =	ssyncadd.s32 $0xFFFFB100  }
0x1b: {  	[tilespmem:s13], [sflag:$0x3] =	stream.linear.gather [hbm4b:s7+s3], $0x4F00, $0x38;
	[tilespmem:$0x17C00] =	vst v63  }
0x1c: {  	_ =	swait.ge [sflag:s12], $0x4F00  }
0x1d: {  	[sflag:s12] =	ssyncset.done $0x0  }
0x1e: {  	[sflag:s12] =	ssyncadd.s32 $0xFFFFB100  }
0x1f: {  	[bflag:$0x0] =	sbarrier.arrive $0xFFFF  }
0x20: {  	[tilespmem:s15], [sflag:$0x1] =	stream.indirect.gather [hbm4b:s8+s14], $0x40, s3, s14, $0xb8;
	[tilespmem:$0x17C00] =	vst v63  }
0x21: {  	_ = 	snop  }
0x22: {  	[tilespmem:s16], [sflag:$0x2] =	stream.indirect.gather [hbm4b:s8+s14], $0x40, s14, s14, $0xb8;
	[tilespmem:$0x17C00] =	vst v63  }
0x23: {  	_ =	swait.ge [sflag:s17], $0x2000  }
0x24: {  	[sflag:s17] =	ssyncset.done $0x0  }
0x25: {  	s24 =	simm.s32 $0x4F00;
	[sflag:s17] =	ssyncadd.s32 $0xFFFFE000  }
0x26: {  	[spmem:s2] =	stream.indirect.scatter.add.f32 [tilespmem:s15], [sflag:$0x3], $0x40, s24, s14, $0xb8;
	[tilespmem:$0x17C00] =	vst v63  }
0x27: {  	_ =	swait.ge [sflag:s12], $0x2000  }
0x28: {  	[sflag:s12] =	ssyncset.done $0x0  }
0x29: {  	s30 =	simm.s32 $0x100;
	[sflag:s12] =	ssyncadd.s32 $0xFFFFE000  }
0x2a: {  	[tilespmem:s15], [sflag:$0x1] =	stream.indirect.gather [hbm4b:s8+s14], $0x40, s30, s14, $0xb8;
	[tilespmem:$0x17C00] =	vst v63  }
0x2b: {  	_ =	swait.ge [sflag:s18], $0x2000  }
0x2c: {  	[sflag:s18] =	ssyncset.done $0x0  }
0x2d: {  	s31 =	simm.s32 $0x4F80;
	[sflag:s18] =	ssyncadd.s32 $0xFFFFE000  }
0x2e: {  	[spmem:s2] =	stream.indirect.scatter.add.f32 [tilespmem:s16], [sflag:$0x3], $0x40, s31, s14, $0xb8;
	[tilespmem:$0x17C00] =	vst v63  }
0x2f: {  	_ =	swait.ge [sflag:s12], $0x2000  }
0x30: {  	[sflag:s12] =	ssyncset.done $0x0  }
0x31: {  	s25 =	simm.s32 $0x180;
	s24 =	simm.s32 $0x400;
	[sflag:s12] =	ssyncadd.s32 $0xFFFFE000  }
.LBB2_2:
0x32: {  	[tilespmem:s16], [sflag:$0x2] =	stream.indirect.gather [hbm4b:s8+s14], $0x40, s25, s14, $0xb8;
	[tilespmem:$0x17C00] =	vst v63  }
0x33: {  	s25 =	smov.u32 s24  }
0x34: {  	p0 =	sne.s32 s24, $0x13400;
	s24 =	sadd.s32 $0x400, s24;
	_ =	swait.ge [sflag:s17], $0x2000  }
0x35: {  	s25 =	sshra.s32 s25, $0x2;
	[sflag:s17] =	ssyncset.done $0x0  }
0x36: {  	s26 =	sadd.s32 $0x4F00, s25;
	[sflag:s17] =	ssyncadd.s32 $0xFFFFE000  }
0x37: {  	[spmem:s2] =	stream.indirect.scatter.add.f32 [tilespmem:s15], [sflag:$0x3], $0x40, s26, s14, $0xb8;
	[tilespmem:$0x17C00] =	vst v63  }
0x38: {  	_ =	swait.ge [sflag:s12], $0x2000  }
0x39: {  	[sflag:s12] =	ssyncset.done $0x0  }
0x3a: {  	s26 =	sadd.s32 $0x100, s25;
	[sflag:s12] =	ssyncadd.s32 $0xFFFFE000  }
0x3b: {  	[tilespmem:s15], [sflag:$0x1] =	stream.indirect.gather [hbm4b:s8+s14], $0x40, s26, s14, $0xb8;
	[tilespmem:$0x17C00] =	vst v63  }
0x3c: {  	_ =	swait.ge [sflag:s18], $0x2000  }
0x3d: {  	[sflag:s18] =	ssyncset.done $0x0  }
.Ltmp0:
0x3e: {  	s26 =	sadd.s32 $0x4F80, s25;
	[sflag:s18] =	ssyncadd.s32 $0xFFFFE000;
	(pc) =	sbr.rel @p0 .LBB2_2-.Ltmp0, $4  }
0x3f: {  	[spmem:s2] =	stream.indirect.scatter.add.f32 [tilespmem:s16], [sflag:$0x3], $0x40, s26, s14, $0xb8;
	[tilespmem:$0x17C00] =	vst v63  }
0x40: {  	_ =	swait.ge [sflag:s12], $0x2000  }
0x41: {  	[sflag:s12] =	ssyncset.done $0x0  }
0x42: {  	s25 =	sadd.s32 $0x180, s25;
	[sflag:s12] =	ssyncadd.s32 $0xFFFFE000  }
0x43: {  	[tilespmem:s16], [sflag:$0x2] =	stream.indirect.gather [hbm4b:s8+s14], $0x40, s25, s14, $0xb8;
	[tilespmem:$0x17C00] =	vst v63  }
0x44: {  	_ =	swait.ge [sflag:s17], $0x2000  }
0x45: {  	[sflag:s17] =	ssyncset.done $0x0  }
0x46: {  	[sflag:s17] =	ssyncadd.s32 $0xFFFFE000  }
0x47: {  	[spmem:s2] =	stream.indirect.scatter.add.f32 [tilespmem:s15], [sflag:$0x3], $0x40, s19, s14, $0xb8;
	[tilespmem:$0x17C00] =	vst v63  }
0x48: {  	_ =	swait.ge [sflag:s12], $0x2000  }
0x49: {  	[sflag:s12] =	ssyncset.done $0x0  }
0x4a: {  	[sflag:s12] =	ssyncadd.s32 $0xFFFFE000  }
0x4b: {  	_ =	swait.ge [sflag:s18], $0x2000  }
0x4c: {  	[sflag:s18] =	ssyncset.done $0x0  }
0x4d: {  	[sflag:s18] =	ssyncadd.s32 $0xFFFFE000  }
0x4e: {  	[spmem:s2] =	stream.indirect.scatter.add.f32 [tilespmem:s16], [sflag:$0x3], $0x40, s20, s14, $0xb8;
	[tilespmem:$0x17C00] =	vst v63  }
0x4f: {  	_ =	swait.ge [sflag:s12], $0x2000  }
0x50: {  	s23 =	sadd.s32 $0x1, s23;
	[sflag:s12] =	ssyncset.done $0x0  }
0x51: {  	p0 =	sne.s32 s23, s10;
	[sflag:s12] =	ssyncadd.s32 $0xFFFFE000  }
.Ltmp1:
0x52: {  	[bflag:$0x0] =	sbarrier.arrive $0xFFFF;
	(pc) =	sbr.rel @p0 .LBB2_1-.Ltmp1, $4  }
0x53: {  	[hbm:s9@s21], [sflag:s5] =	dma.strided [spmem:s11@s22], $0x13C0, s17, $0x8   }
0x54: {  	_ =	swait.ge [sflag:s12], $0x13C0  }
0x55: {  	[sflag:s12] =	ssyncset.done $0x0  }
0x56: {  	[sflag:s12] =	ssyncadd.s32 $0xFFFFEC40  }
0x57: {  	_ =	sfence.sel $0x180000  }
0x58: {  	[bflag:$0x0] =	sbarrier.arrive $0xFFFF  }
0x59: {  	p0 =	sne.s32 s1, $0x0;
	_ =	strace $0x9000004A  }
0x5a: {  	s0 =	sadd.s32 @!p0 $0x100000, s0;
	[bflag:$0x2] =	sbarrier.arrive $0xFFFF  }
0x5b: {  	[sflag:s0] =	ssyncadd.tile.s32 @!p0 $0x1;
	_ =	shalt  }
.Lfunc_end2:
_tile_overlayer_lowered:
.L_overlay_start_2:
0x5c: {  	(tag) =	ssettag $0x2  }
0x5d: {  	s0 =	rddreg [dreg:$0x0];
	s2 =	stileid.u32  }
0x5e: {  	s1 =	rddreg [dreg:$0x1];
	p0 =	sne.s32 s2, $0x0  }
0x5f: {  	s3 =	rddreg [dreg:$0x2];
	[bflag:$0x3] =	sbarrier.arrive $0xFFFF;
	s2 =	simm.s32 @!p0 $0x1C03  }
0x60: {  	[timem:s3], [sflag:s2] =	dma.local @!p0 [hbm:s0], s1  }
0x61: {  	s0 =	simm.s32 @!p0 $0x3  }
0x62: {  	_ =	swait.ge @!p0 [sflag:s0], s1  }
0x63: {  	s1 =	ssub.s32 @!p0 $0x0, s1;
	[sflag:s0] =	ssyncset.done @!p0 $0x0  }
0x64: {  	[sflag:s0] =	ssyncadd.s32 @!p0 s1  }
0x65: {  	[bflag:$0x3] =	sbarrier.arrive $0xFFFF  }
0x66: {  	_ =	shalt  }

// kernel: kernel.17.cloned.1.call-start
scs
__scs_entry_jumppad:
0x0: {  	(pc) =	sbr.rel $0x88, $3  }
0x1: {  	(tag) =	ssettag $0x0;
	lr =	simm.s32 $0x1  }
0x2: {  	[smem:$0x3F98] =	sst lr;
	_ =	strace $0xD0000000  }
0x3: {  	_ = 	snop  }
0x4: {  	_ = 	snop  }
0x5: {  	_ = 	snop  }
0x6: {  	_ = 	snop  }
0x7: {  	_ = 	snop  }
__scs_overlays_trampoline_lowered:
0x8: {  	[smem:$0x3FA7] =	sst s0  }
0x9: {  	[smem:$0x3FA8] =	sst s1  }
0xa: {  	[smem:$0x3FA9] =	sst s2  }
0xb: {  	[smem:$0x3FAA] =	sst s3  }
0xc: {  	[smem:$0x3FAB] =	sst s4  }
0xd: {  	[smem:$0x3FAC] =	sst s5  }
0xe: {  	[smem:$0x3FAD] =	sst s6  }
0xf: {  	[smem:$0x3FAE] =	sst s7  }
0x10: {  	[smem:$0x3FAF] =	sst s8  }
0x11: {  	[smem:$0x3FB0] =	sst s9;
	s0 =	simm.s32 @!p0 $0x0  }
0x12: {  	s1 =	sld [smem:$0x3F96];
	s0 =	simm.s32 @p0 $0x1  }
0x13: {  	[smem:$0x3FB1] =	sst s0;
	s0 =	simm.s32 @!p1 $0x0  }
0x14: {  	s2 =	sld [smem:$0x3F95];
	s0 =	simm.s32 @p1 $0x1  }
0x15: {  	[smem:$0x3FB2] =	sst s0;
	s0 =	simm.s32 @!p2 $0x0  }
0x16: {  	s3 =	sld [smem:$0x3FDB];
	s0 =	simm.s32 @p2 $0x1  }
0x17: {  	s4 =	simm.s32 $0x1BF5;
	[smem:$0x3FB4] =	sst s0  }
0x18: {  	s0 =	sld [smem:$0x3F97];
	_ =	swait.ge [sflag:s4], $0x0  }
0x19: {  	s7 =	sld [smem:$0x3F98]  }
0x1a: {  	s8 =	sadd.s32 $0xFFFFE003, lr  }
0x1b: {  	s9 =	sadd.s32 $0xFFFFFEF7, lr;
	s5 =	simm.s32 $0xFFFFFFFF;
	p2 =	slt.u32 s8, $0xFFFFF086  }
0x1c: {  	p1 =	slt.u32 s9, $0xF7A;
	s5 =	simm.s32 @!p2 $0x0  }
0x1d: {  	s5 =	simm.s32 @p1 $0x1;
	p0 =	seq.s32 s7, s2  }
0x1e: {  	s7 =	smul.u32 @!p0 $0xF7A, s2;
	p2 =	seq.s32 @!p0 s5, $0x0  }
0x1f: {  	s9 =	smul.u32 $0xF7A, s1;
	s8 =	simm.s32 @!p0 $0x1BF5;
	p2 =	por !p2, p0  }
0x20: {  	[sflag:s8] =	ssyncset.s32 @!p0 $0xFFFFF086;
	s6 =	sadd.s32 @!p0 s3, s7;
	s7 =	simm.s32 @!p0 $0x108  }
0x21: {  	s3 =	sadd.s32 s3, s9;
	s6 =	sadd.s32 @!p0 $0x88, s6;
	s7 =	simm.s32 @p2 $0x1082  }
0x22: {  	[simem:s7], [sflag:s8] =	dma.local @!p0 [hbm:s6], $0xF7A  }
0x23: {  	s9 =	sor.u32 $0xD0000000, s2;
	s6 =	simm.s32 $0x108;
	_ =	swait.ge @!p0 [sflag:s8], $0x0  }
0x24: {  	s3 =	sadd.s32 $0x88, s3;
	s6 =	simm.s32 @!p1 $0x1082;
	[sflag:s4] =	ssyncset.s32 $0xFFFFF086  }
0x25: {  	[simem:s6], [sflag:s4] =	dma.local [hbm:s3], $0xF7A  }
0x26: {  	[smem:$0x3F98] =	sst s1;
	(tag) =	ssettag s2;
	_ =	strace s9  }
0x27: {  	s1 =	sld [smem:$0x3FA8]  }
0x28: {  	s2 =	sld [smem:$0x3FA9]  }
0x29: {  	s4 =	sld [smem:$0x3FAB]  }
0x2a: {  	p0 =	seq.s32 s5, $0x0;
	s5 =	sld [smem:$0x3FAC]  }
0x2b: {  	s6 =	sld [smem:$0x3FAD]  }
0x2c: {  	s7 =	sld [smem:$0x3FAE]  }
0x2d: {  	s3 =	simm.s32 $0x108;
	s8 =	sld [smem:$0x3FAF]  }
0x2e: {  	s3 =	simm.s32 @!p0 $0x1082;
	s9 =	sld [smem:$0x3FB0]  }
0x2f: {  	lr =	sadd.s32 s0, s3;
	s0 =	sld [smem:$0x3FA7]  }
0x30: {  	s3 =	sld [smem:$0x3FAA]  }
0x31: {  	[smem:$0x3FB3] =	sst s10  }
0x32: {  	s10 =	sld [smem:$0x3FB1];
	_ =	sdelay $0x3  }
0x33: {  	p0 =	seq.s32 s10, $0x1;
	s10 =	sld [smem:$0x3FB3];
	_ =	sdelay $0x3  }
0x34: {  	[smem:$0x3FB3] =	sst s10  }
0x35: {  	s10 =	sld [smem:$0x3FB2];
	_ =	sdelay $0x3  }
0x36: {  	p1 =	seq.s32 s10, $0x1;
	s10 =	sld [smem:$0x3FB3];
	_ =	sdelay $0x3  }
0x37: {  	[smem:$0x3FB3] =	sst s10  }
0x38: {  	s10 =	sld [smem:$0x3FB4]  }
0x39: {  	_ = 	snop;
	(pc) =	sbr.ind lr, $3  }
0x3a: {  	_ = 	snop  }
0x3b: {  	_ = 	snop  }
0x3c: {  	p2 =	seq.s32 s10, $0x1;
	s10 =	sld [smem:$0x3FB3]  }
0x3d: {  	_ =	shalt  }
0x3e: {  	_ =	shalt  }
0x3f: {  	_ =	shalt  }
0x40: {  	_ =	shalt  }
0x41: {  	_ =	shalt  }
0x42: {  	_ =	shalt  }
0x43: {  	_ =	shalt  }
0x44: {  	_ =	shalt  }
0x45: {  	_ =	shalt  }
0x46: {  	_ =	shalt  }
0x47: {  	_ =	shalt  }
0x48: {  	_ =	shalt  }
0x49: {  	_ =	shalt  }
0x4a: {  	_ =	shalt  }
0x4b: {  	_ =	shalt  }
0x4c: {  	_ =	shalt  }
0x4d: {  	_ =	shalt  }
0x4e: {  	_ =	shalt  }
0x4f: {  	_ =	shalt  }
0x50: {  	_ =	shalt  }
0x51: {  	_ =	shalt  }
0x52: {  	_ =	shalt  }
0x53: {  	_ =	shalt  }
0x54: {  	_ =	shalt  }
0x55: {  	_ =	shalt  }
0x56: {  	_ =	shalt  }
0x57: {  	_ =	shalt  }
0x58: {  	_ =	shalt  }
0x59: {  	_ =	shalt  }
0x5a: {  	_ =	shalt  }
0x5b: {  	_ =	shalt  }
0x5c: {  	_ =	shalt  }
0x5d: {  	_ =	shalt  }
0x5e: {  	_ =	shalt  }
0x5f: {  	_ =	shalt  }
0x60: {  	_ =	shalt  }
0x61: {  	_ =	shalt  }
0x62: {  	_ =	shalt  }
0x63: {  	_ =	shalt  }
0x64: {  	_ =	shalt  }
0x65: {  	_ =	shalt  }
0x66: {  	_ =	shalt  }
0x67: {  	_ =	shalt  }
0x68: {  	_ =	shalt  }
0x69: {  	_ =	shalt  }
0x6a: {  	_ =	shalt  }
0x6b: {  	_ =	shalt  }
0x6c: {  	_ =	shalt  }
0x6d: {  	_ =	shalt  }
0x6e: {  	_ =	shalt  }
0x6f: {  	_ =	shalt  }
0x70: {  	_ =	shalt  }
0x71: {  	_ =	shalt  }
0x72: {  	_ =	shalt  }
0x73: {  	_ =	shalt  }
0x74: {  	_ =	shalt  }
0x75: {  	_ =	shalt  }
0x76: {  	_ =	shalt  }
0x77: {  	_ =	shalt  }
0x78: {  	_ =	shalt  }
0x79: {  	_ =	shalt  }
0x7a: {  	_ =	shalt  }
0x7b: {  	_ =	shalt  }
0x7c: {  	_ =	shalt  }
0x7d: {  	_ =	shalt  }
0x7e: {  	_ =	shalt  }
0x7f: {  	_ =	shalt  }
0x80: {  	_ =	shalt  }
0x81: {  	_ =	shalt  }
0x82: {  	_ =	shalt  }
0x83: {  	_ =	shalt  }
0x84: {  	_ =	shalt  }
0x85: {  	_ =	shalt  }
0x86: {  	_ =	shalt  }
0x87: {  	_ =	shalt  }
.Lfunc_end0:
.L_simem_size_0:
called_computation.2_lowered:
.L_overlay_start_0:
0x88: {  	s2 =	sld [smem:$0x3FD9]  }
0x89: {  	s3 =	sld [smem:$0x3FFE];
	_ =	sdelay $0x1  }
0x8a: {  	s1 =	srdreg.scid  }
0x8b: {  	s0 =	sand.u32 $0x1, s1  }
0x8c: {  	s17 =	sshll.u32 s0, $0xA;
	s2 =	sadd.s32 s3, s2  }
0x8d: {  	s2 =	sadd.s32 s2, s17  }
0x8e: {  	[smem:$0x3FBF] =	sst s2  }
0x8f: {  	_ = 	snop  }
0x90: {  	s2 =	sld [smem:$0x3FD0];
	(tm) =	ssettm $0x1  }
0x91: {  	s18 =	sld [smem:$0x3FFB];
	_ =	sdelay $0x3  }
0x92: {  	_ =	strace s18  }
0x93: {  	s3 =	sld [smem:$0x3FFC];
	_ =	sdelay $0x3  }
0x94: {  	_ =	strace s3  }
0x95: {  	s3 =	sld [smem:$0x3FFD];
	_ =	sdelay $0x3  }
0x96: {  	_ =	strace s3  }
0x97: {  	_ =	strace $0x8FFFFFFF  }
0x98: {  	s19 =	sld [smem:$0x3FDB];
	_ =	sdelay $0x1  }
0x99: {  	s4 =	simm.s32 $_scs_section_size  }
0x9a: {  	s5 =	simm.s32 $_size__tile_overlayer_lowered;
	s6 =	simm.s32 $_tile_overlayer_lowered  }
0x9b: {  	s22 =	simm.s32 $0x1BFF;
	s21 =	sshll.u32 s6, $0x1;
	s3 =	sadd.s32 s4, s19  }
0x9c: {  	s7 =	simm.s32 $0x0;
	s20 =	sshll.u32 s5, $0x1;
	s5 =	sadd.s32 s21, s3  }
0x9d: {  	[timem:s7], [sflag:s22] =	dma.local [hbm:s5], s20  }
0x9e: {  	_ =	swait.ge [sflag:s22], s20  }
0x9f: {  	s4 =	ssub.s32 $0x0, s20;
	[sflag:s22] =	ssyncset.done $0x0  }
0xa0: {  	[sflag:s22] =	ssyncadd.s32 s4;
	_ =	sdelay $0x1  }
0xa1: {  	s23 =	simm.s32 $0x1B8B  }
0xa2: {  	_ =	swait.ge [sflag:s23], $0x1  }
0xa3: {  	[sflag:s23] =	ssyncset.done $0x0  }
0xa4: {  	s25 =	simm.s32 $0x1B8E;
	s24 =	sld [smem:$0x3FFE];
	[sflag:s23] =	ssyncadd.s32 $0xFFFFFFFF  }
0xa5: {  	s26 =	simm.s32 $execute0_lowered;
	[smem:$0x3FD2] =	sst s25  }
0xa6: {  	s5 =	sshll.u32 s26, $0x1;
	_ =	strace $0x8000004C;
	[dreg:$0x1] =	wrdreg $0xFFFFFFFF  }
0xa7: {  	s28 =	simm.s32 $_size_execute0_lowered;
	s3 =	sadd.s32 s3, s5;
	[dreg:$0x0] =	wrdreg $0x0  }
0xa8: {  	s5 =	sshll.u32 s28, $0x1;
	[dreg:$0x2] =	wrdreg s3  }
0xa9: {  	[dreg:$0x3] =	wrdreg s5  }
0xaa: {  	[dreg:$0x4] =	wrdreg $0xC0  }
0xab: {  	_ =	task [dreg:s7], $0x5FFFF  }
0xac: {  	[dreg:$0x1] =	wrdreg $0xFFFFFFFF  }
0xad: {  	[dreg:$0x0] =	wrdreg $0x60  }
0xae: {  	[dreg:$0x2] =	wrdreg s2  }
0xaf: {  	[dreg:$0x3] =	wrdreg s24  }
0xb0: {  	[dreg:$0x4] =	wrdreg $0xDE000  }
0xb1: {  	[dreg:$0x5] =	wrdreg $0x9  }
0xb2: {  	_ =	task.clear_ibuf [dreg:s7], $0x6FFFF;
	_ =	strace $0x9000004C  }
0xb3: {  	s29 =	simm.s32 $0x9;
	_ =	strace $0x8000004E  }
0xb4: {  	_ =	swait.ge [sflag:s29], $0x1  }
0xb5: {  	[sflag:s29] =	ssyncadd.s32 $0xFFFFFFFF  }
0xb6: {  	_ =	strace $0x9000004E  }
0xb7: {  	_ =	sfence  }
0xb8: {  	s30 =	sld [smem:$0x0];
	_ =	sdelay $0x2  }
0xb9: {  	s31 =	sshll.u32 s1, $0xD;
	s1 =	sshrl.u32 s1, $0x2  }
0xba: {  	s3 =	sand.u32 $0x4000, s31;
	s1 =	sadd.s32 s1, s30  }
0xbb: {  	s0 =	sor.u32 s3, s0;
	s1 =	sshll.u32 s1, $0x11  }
0xbc: {  	s0 =	sor.u32 s1, s0  }
0xbd: {  	s0 =	sadd.s32 $0x8F2B, s0  }
0xbe: {  	[sflag:s0] =	ssyncadd.remote.s32 $0x1  }
0xbf: {  	_ =	sfence.sel $0xFFFF  }
0xc0: {  	[dreg:$0x0] =	wrdreg $0xFFFFFFFF;
	(pc) =	sbr.abs _section_cstart, $3  }
0xc1: {  	[dreg:$0x1] =	wrdreg $0xFFFFFFFF  }
0xc2: {  	_ =	task.clear_ibuf [dreg:s7], $0x2FFFF;
	_ =	strace $0x9FFFFFFF  }
0xc3: {  	(tm) =	ssettm $0x7FFFFFFF  }
tec
execute0_lowered:
.L_overlay_start_1:
0x0: {  	(tag) =	ssettag $0x1  }
0x1: {  	s8 =	rddreg [dreg:$0x0]  }
0x2: {  	s5 =	rddreg [dreg:$0x1]  }
0x3: {  	s2 =	rddreg [dreg:$0x2]  }
0x4: {  	s0 =	rddreg [dreg:$0x3]  }
0x5: {  	s1 =	stileid.u32;
	s6 =	srdreg.scid  }
0x6: {  	s3 =	simm.s32 $0x0;
	s16 =	simm.s32 $0xBE00;
	s17 =	simm.s32 $0x1  }
0x7: {  	s18 =	simm.s32 $0x2;
	s19 =	simm.s32 $0x9D00;
	s20 =	simm.s32 $0x9D80  }
0x8: {  	s21 =	simm.s32 $0x10;
	s22 =	simm.s32 $0x8;
	s4 =	smul.u32 $0x9E0, s1  }
0x9: {  	s23 =	simm.s32 $0x0;
	s6 =	sand.u32 $0x1, s6;
	s7 =	smul.u32 $0x13C00, s1  }
0xa: {  	[smem:$0x7FF] =	sst s3;
	s11 =	smul.u32 $0x27800, s1;
	s31 =	sshll.u32 s1, $0x6  }
0xb: {  	s9 =	sshll.u32 s6, $0x6;
	_ =	strace $0x8000004D;
	s28 =	ssub.s32 $0x2, s6  }
0xc: {  	s13 =	smul.u32 $0x13880, s6;
	s10 =	sadd.s32 s4, s5;
	s26 =	sor.u32 s9, s7  }
0xd: {  	s4 =	sadd.s32 $0x16E00, s5;
	s29 =	sshrl.u32 s28, $0x1;
	s30 =	sshrl.u32 s11, $0x2  }
0xe: {  	s7 =	sshrl.u32 s26, $0x3;
	s14 =	ssub.s32 s28, s29;
	s15 =	sadd.s32 s30, s2  }
0xf: {  	s6 =	sadd.s32 $0xD000, s10;
	s8 =	sadd.s32 s8, s13;
	s13 =	simm.s32 $0x4F00  }
0x10: {  	s12 =	sadd.s32 s7, s5;
	s5 =	sor.u32 $0x1C03, s31;
	s7 =	sadd.s32 $0x3200, s10  }
0x11: {  	s10 =	smax.u32 s14, $0x1;
	s11 =	sshrl.u32 s15, $0x3;
	s14 =	simm.s32 $0x80  }
0x12: {  	s15 =	simm.s32 $0x9E00;
	s9 =	sadd.s32 $0x18200, s12;
	s12 =	simm.s32 $0x3  }
.LBB2_1:
0x13: {  	[spmem:s11], [sflag:s5] =	dma.local [hbm:s4], $0x13C0  }
0x14: {  	_ =	swait.ge [sflag:s12], $0x13C0  }
0x15: {  	[sflag:s12] =	ssyncset.done $0x0  }
0x16: {  	[sflag:s12] =	ssyncadd.s32 $0xFFFFEC40  }
0x17: {  	[tilespmem:s3], [sflag:$0x3] =	stream.linear.gather [hbm4b:s6+s3], $0x4F00, $0x38;
	[tilespmem:$0x17C00] =	vst v63  }
0x18: {  	_ =	swait.ge [sflag:s12], $0x4F00  }
0x19: {  	[sflag:s12] =	ssyncset.done $0x0  }
0x1a: {  	[sflag:s12] =	ssyncadd.s32 $0xFFFFB100  }
0x1b: {  	[tilespmem:s13], [sflag:$0x3] =	stream.linear.gather [hbm4b:s7+s3], $0x4F00, $0x38;
	[tilespmem:$0x17C00] =	vst v63  }
0x1c: {  	_ =	swait.ge [sflag:s12], $0x4F00  }
0x1d: {  	[sflag:s12] =	ssyncset.done $0x0  }
0x1e: {  	[sflag:s12] =	ssyncadd.s32 $0xFFFFB100  }
0x1f: {  	[bflag:$0x0] =	sbarrier.arrive $0xFFFF  }
0x20: {  	[tilespmem:s15], [sflag:$0x1] =	stream.indirect.gather [hbm4b:s8+s14], $0x40, s3, s14, $0xb8;
	[tilespmem:$0x17C00] =	vst v63  }
0x21: {  	_ = 	snop  }
0x22: {  	[tilespmem:s16], [sflag:$0x2] =	stream.indirect.gather [hbm4b:s8+s14], $0x40, s14, s14, $0xb8;
	[tilespmem:$0x17C00] =	vst v63  }
0x23: {  	_ =	swait.ge [sflag:s17], $0x2000  }
0x24: {  	[sflag:s17] =	ssyncset.done $0x0  }
0x25: {  	s24 =	simm.s32 $0x4F00;
	[sflag:s17] =	ssyncadd.s32 $0xFFFFE000  }
0x26: {  	[spmem:s2] =	stream.indirect.scatter.add.f32 [tilespmem:s15], [sflag:$0x3], $0x40, s24, s14, $0xb8;
	[tilespmem:$0x17C00] =	vst v63  }
0x27: {  	_ =	swait.ge [sflag:s12], $0x2000  }
0x28: {  	[sflag:s12] =	ssyncset.done $0x0  }
0x29: {  	s30 =	simm.s32 $0x100;
	[sflag:s12] =	ssyncadd.s32 $0xFFFFE000  }
0x2a: {  	[tilespmem:s15], [sflag:$0x1] =	stream.indirect.gather [hbm4b:s8+s14], $0x40, s30, s14, $0xb8;
	[tilespmem:$0x17C00] =	vst v63  }
0x2b: {  	_ =	swait.ge [sflag:s18], $0x2000  }
0x2c: {  	[sflag:s18] =	ssyncset.done $0x0  }
0x2d: {  	s31 =	simm.s32 $0x4F80;
	[sflag:s18] =	ssyncadd.s32 $0xFFFFE000  }
0x2e: {  	[spmem:s2] =	stream.indirect.scatter.add.f32 [tilespmem:s16], [sflag:$0x3], $0x40, s31, s14, $0xb8;
	[tilespmem:$0x17C00] =	vst v63  }
0x2f: {  	_ =	swait.ge [sflag:s12], $0x2000  }
0x30: {  	[sflag:s12] =	ssyncset.done $0x0  }
0x31: {  	s25 =	simm.s32 $0x180;
	s24 =	simm.s32 $0x400;
	[sflag:s12] =	ssyncadd.s32 $0xFFFFE000  }
.LBB2_2:
0x32: {  	[tilespmem:s16], [sflag:$0x2] =	stream.indirect.gather [hbm4b:s8+s14], $0x40, s25, s14, $0xb8;
	[tilespmem:$0x17C00] =	vst v63  }
0x33: {  	s25 =	smov.u32 s24  }
0x34: {  	p0 =	sne.s32 s24, $0x13400;
	s24 =	sadd.s32 $0x400, s24;
	_ =	swait.ge [sflag:s17], $0x2000  }
0x35: {  	s25 =	sshra.s32 s25, $0x2;
	[sflag:s17] =	ssyncset.done $0x0  }
0x36: {  	s26 =	sadd.s32 $0x4F00, s25;
	[sflag:s17] =	ssyncadd.s32 $0xFFFFE000  }
0x37: {  	[spmem:s2] =	stream.indirect.scatter.add.f32 [tilespmem:s15], [sflag:$0x3], $0x40, s26, s14, $0xb8;
	[tilespmem:$0x17C00] =	vst v63  }
0x38: {  	_ =	swait.ge [sflag:s12], $0x2000  }
0x39: {  	[sflag:s12] =	ssyncset.done $0x0  }
0x3a: {  	s26 =	sadd.s32 $0x100, s25;
	[sflag:s12] =	ssyncadd.s32 $0xFFFFE000  }
0x3b: {  	[tilespmem:s15], [sflag:$0x1] =	stream.indirect.gather [hbm4b:s8+s14], $0x40, s26, s14, $0xb8;
	[tilespmem:$0x17C00] =	vst v63  }
0x3c: {  	_ =	swait.ge [sflag:s18], $0x2000  }
0x3d: {  	[sflag:s18] =	ssyncset.done $0x0  }
.Ltmp0:
0x3e: {  	s26 =	sadd.s32 $0x4F80, s25;
	[sflag:s18] =	ssyncadd.s32 $0xFFFFE000;
	(pc) =	sbr.rel @p0 .LBB2_2-.Ltmp0, $4  }
0x3f: {  	[spmem:s2] =	stream.indirect.scatter.add.f32 [tilespmem:s16], [sflag:$0x3], $0x40, s26, s14, $0xb8;
	[tilespmem:$0x17C00] =	vst v63  }
0x40: {  	_ =	swait.ge [sflag:s12], $0x2000  }
0x41: {  	[sflag:s12] =	ssyncset.done $0x0  }
0x42: {  	s25 =	sadd.s32 $0x180, s25;
	[sflag:s12] =	ssyncadd.s32 $0xFFFFE000  }
0x43: {  	[tilespmem:s16], [sflag:$0x2] =	stream.indirect.gather [hbm4b:s8+s14], $0x40, s25, s14, $0xb8;
	[tilespmem:$0x17C00] =	vst v63  }
0x44: {  	_ =	swait.ge [sflag:s17], $0x2000  }
0x45: {  	[sflag:s17] =	ssyncset.done $0x0  }
0x46: {  	[sflag:s17] =	ssyncadd.s32 $0xFFFFE000  }
0x47: {  	[spmem:s2] =	stream.indirect.scatter.add.f32 [tilespmem:s15], [sflag:$0x3], $0x40, s19, s14, $0xb8;
	[tilespmem:$0x17C00] =	vst v63  }
0x48: {  	_ =	swait.ge [sflag:s12], $0x2000  }
0x49: {  	[sflag:s12] =	ssyncset.done $0x0  }
0x4a: {  	[sflag:s12] =	ssyncadd.s32 $0xFFFFE000  }
0x4b: {  	_ =	swait.ge [sflag:s18], $0x2000  }
0x4c: {  	[sflag:s18] =	ssyncset.done $0x0  }
0x4d: {  	[sflag:s18] =	ssyncadd.s32 $0xFFFFE000  }
0x4e: {  	[spmem:s2] =	stream.indirect.scatter.add.f32 [tilespmem:s16], [sflag:$0x3], $0x40, s20, s14, $0xb8;
	[tilespmem:$0x17C00] =	vst v63  }
0x4f: {  	_ =	swait.ge [sflag:s12], $0x2000  }
0x50: {  	s23 =	sadd.s32 $0x1, s23;
	[sflag:s12] =	ssyncset.done $0x0  }
0x51: {  	p0 =	sne.s32 s23, s10;
	[sflag:s12] =	ssyncadd.s32 $0xFFFFE000  }
.Ltmp1:
0x52: {  	[bflag:$0x0] =	sbarrier.arrive $0xFFFF;
	(pc) =	sbr.rel @p0 .LBB2_1-.Ltmp1, $4  }
0x53: {  	[hbm:s9@s21], [sflag:s5] =	dma.strided [spmem:s11@s22], $0x13C0, s17, $0x8   }
0x54: {  	_ =	swait.ge [sflag:s12], $0x13C0  }
0x55: {  	[sflag:s12] =	ssyncset.done $0x0  }
0x56: {  	[sflag:s12] =	ssyncadd.s32 $0xFFFFEC40  }
0x57: {  	_ =	sfence.sel $0x180000  }
0x58: {  	[bflag:$0x0] =	sbarrier.arrive $0xFFFF  }
0x59: {  	p0 =	sne.s32 s1, $0x0;
	_ =	strace $0x9000004D  }
0x5a: {  	s0 =	sadd.s32 @!p0 $0x100000, s0;
	[bflag:$0x2] =	sbarrier.arrive $0xFFFF  }
0x5b: {  	[sflag:s0] =	ssyncadd.tile.s32 @!p0 $0x1;
	_ =	shalt  }
.Lfunc_end2:
_tile_overlayer_lowered:
.L_overlay_start_2:
0x5c: {  	(tag) =	ssettag $0x2  }
0x5d: {  	s0 =	rddreg [dreg:$0x0];
	s2 =	stileid.u32  }
0x5e: {  	s1 =	rddreg [dreg:$0x1];
	p0 =	sne.s32 s2, $0x0  }
0x5f: {  	s3 =	rddreg [dreg:$0x2];
	[bflag:$0x3] =	sbarrier.arrive $0xFFFF;
	s2 =	simm.s32 @!p0 $0x1C03  }
0x60: {  	[timem:s3], [sflag:s2] =	dma.local @!p0 [hbm:s0], s1  }
0x61: {  	s0 =	simm.s32 @!p0 $0x3  }
0x62: {  	_ =	swait.ge @!p0 [sflag:s0], s1  }
0x63: {  	s1 =	ssub.s32 @!p0 $0x0, s1;
	[sflag:s0] =	ssyncset.done @!p0 $0x0  }
0x64: {  	[sflag:s0] =	ssyncadd.s32 @!p0 s1  }
0x65: {  	[bflag:$0x3] =	sbarrier.arrive $0xFFFF  }
0x66: {  	_ =	shalt  }

</sc_bundles>
